<compile_context>
chip_gen: v7x
topology: tpu7x:2x2x1
jax: 0.10.2.dev20260603
libtpu: 0.0.44.dev20260713+nightly
codegen_flags: <defaults>
</compile_context>

<pallas_src>
import functools

import jax
import jax.numpy as jnp
from jax import lax
from jax.experimental import pallas as pl
from jax.experimental.pallas import tpu as pltpu
from jax.experimental.pallas import tpu_sc as plsc

_NC = 2
_NS = 16
_NW = _NC * _NS
_FCHUNK = 1024
_BLOCK = 8192



def _sc_fit_body(nf_chunks, n_full, tail_n, per_w,
                 fit_hbm, out_fit_hbm, buf0, buf1, ones_v, sem0, sem1):
    wid = lax.axis_index("s") * _NC + lax.axis_index("c")
    c0 = wid * per_w

    for i in range(_FCHUNK // 16):
        ones_v[pl.ds(i * 16, 16)] = jnp.ones((16,), jnp.float32)

    bufs = (buf0, buf1)
    sems = (sem0, sem1)

    def start_in(c, slot):
        @pl.when((c >= nf_chunks) & (c < n_full))
        def _():
            pltpu.async_copy(fit_hbm.at[pl.ds(c * _FCHUNK, _FCHUNK)],
                             bufs[slot], sems[slot])

        @pl.when(c == n_full)
        def _():
            pltpu.async_copy(fit_hbm.at[pl.ds(c * _FCHUNK, tail_n)],
                             bufs[slot].at[pl.ds(0, tail_n)], sems[slot])

    def wait_in(c, slot):
        @pl.when((c >= nf_chunks) & (c < n_full))
        def _():
            pltpu.make_async_copy(fit_hbm.at[pl.ds(0, _FCHUNK)], bufs[slot],
                                  sems[slot]).wait()

        @pl.when(c == n_full)
        def _():
            pltpu.make_async_copy(fit_hbm.at[pl.ds(0, tail_n)],
                                  bufs[slot].at[pl.ds(0, tail_n)],
                                  sems[slot]).wait()

    def write_out(c, slot):
        @pl.when(c < nf_chunks)
        def _():
            pltpu.sync_copy(ones_v, out_fit_hbm.at[pl.ds(c * _FCHUNK, _FCHUNK)])

        @pl.when((c >= nf_chunks) & (c < n_full))
        def _():
            pltpu.sync_copy(bufs[slot], out_fit_hbm.at[pl.ds(c * _FCHUNK, _FCHUNK)])

        @pl.when(c == n_full)
        def _():
            pltpu.sync_copy(bufs[slot].at[pl.ds(0, tail_n)],
                            out_fit_hbm.at[pl.ds(c * _FCHUNK, tail_n)])

    start_in(c0, 0)
    for k in range(per_w):
        c = c0 + k
        cur = k % 2
        if k + 1 < per_w:
            start_in(c + 1, (k + 1) % 2)
        wait_in(c, cur)
        write_out(c, cur)


def _sc_fitness(fitness, B):
    cap = fitness.shape[0]
    n_chunks = (cap + _FCHUNK - 1) // _FCHUNK
    n_full = cap // _FCHUNK
    tail_n = cap - n_full * _FCHUNK
    nf_chunks = B // _FCHUNK
    per_w = (n_chunks + _NW - 1) // _NW
    mesh = plsc.VectorSubcoreMesh(core_axis_name="c", subcore_axis_name="s")
    kfn = pl.kernel(
        functools.partial(_sc_fit_body, nf_chunks, n_full, tail_n, per_w),
        mesh=mesh,
        out_type=jax.ShapeDtypeStruct((cap,), fitness.dtype),
        scratch_types=[
            pltpu.VMEM((_FCHUNK,), jnp.float32),
            pltpu.VMEM((_FCHUNK,), jnp.float32),
            pltpu.VMEM((_FCHUNK,), jnp.float32),
            pltpu.SemaphoreType.DMA,
            pltpu.SemaphoreType.DMA,
        ],
    )
    return kfn(fitness)



def _tc_mem_body(nf, feat_ref, mem_ref, out_mem_ref):
    i = pl.program_id(0)

    @pl.when(i < nf)
    def _():
        out_mem_ref[...] = feat_ref[...]

    @pl.when(i >= nf)
    def _():
        out_mem_ref[...] = mem_ref[...]


def _tc_memory(features, memory):
    B = features.shape[0]
    cap, dim = memory.shape
    block = _BLOCK if B % _BLOCK == 0 else 2048
    nf = B // block
    grid = (cap + block - 1) // block
    return pl.pallas_call(
        functools.partial(_tc_mem_body, nf),
        grid=(grid,),
        out_shape=jax.ShapeDtypeStruct((cap, dim), memory.dtype),
        in_specs=[
            pl.BlockSpec((block, dim), lambda i: (jnp.minimum(i, nf - 1), 0)),
            pl.BlockSpec((block, dim), lambda i: (jnp.maximum(i, nf), 0)),
        ],
        out_specs=pl.BlockSpec((block, dim), lambda i: (i, 0)),
    )(features, memory)


def kernel(features, memory, fitness):
    B = features.shape[0]
    out_mem = _tc_memory(features, memory)
    out_fit = _sc_fitness(fitness, B)
    return out_mem, out_fit

# --- scband reference (transcript-rebuilt; emitter-appended) ---
"""Pipeline reference for scband-evolutionary-memory-bank-8057358647652 (READ-ONLY COPY).

The authoritative reference and input builder live on the scoring server;
editing this copy changes nothing except your own understanding.
"""

import jax, jax.numpy as jnp
import numpy as np

CAPACITY = 100000
EMBED_DIM = 128
BATCH = 16384

def setup_inputs(seed: int = 0) -> dict:
    key = jax.random.key(seed)
    k1, k2 = jax.random.split(key)
    features = jax.random.normal(k1, (BATCH, EMBED_DIM), dtype=jnp.float32)
    # register_buffer('memory', torch.randn(capacity, embed_dim))
    memory = jax.random.normal(k2, (CAPACITY, EMBED_DIM), dtype=jnp.float32)
    # register_buffer('fitness', torch.zeros(capacity))
    fitness = jnp.zeros((CAPACITY,), dtype=jnp.float32)
    return {"features": features, "memory": memory, "fitness": fitness}

def reference(features, memory, fitness):
    # EvolutionaryMemoryBank.write(features) followed by read().
    # Torch loop: for i in range(B): memory[(ptr+i) % capacity] = features[i].detach();
    #             fitness[(ptr+i) % capacity] = 1.0;  ptr starts at 0.
    # Vectorized as a scatter-overwrite with circular indices.
    B = features.shape[0]
    capacity = memory.shape[0]
    idx = jnp.arange(B, dtype=jnp.int32) % capacity
    feats = jax.lax.stop_gradient(features)  # .detach()
    memory_new = memory.at[idx].set(feats)
    fitness_new = fitness.at[idx].set(1.0)
    # read() returns the memory bank; fitness returned for completeness
    return memory_new, fitness_new

if __name__ == "__main__":
    import jax
    _d = setup_inputs()
    print(jax.jit(kernel)(*tuple(_d.values())))

</pallas_src>

<mosaic_0001>
#map = affine_map<(d0, d1) -> (0)>
module attributes {stable_mosaic.version = 14 : i64} {
  func.func @_sc_fit_body(%arg0: i32, %arg1: i32, %arg2: memref<100000xf32, #tpu.memory_space<hbm>>, %arg3: memref<100000xf32, #tpu.memory_space<hbm>>, %arg4: memref<1024xf32, #tpu.memory_space<vmem>>, %arg5: memref<1024xf32, #tpu.memory_space<vmem>>, %arg6: memref<1024xf32, #tpu.memory_space<vmem>>, %arg7: memref<!tpu.dma_semaphore, #tpu.memory_space<semaphore_mem>>, %arg8: memref<!tpu.dma_semaphore, #tpu.memory_space<semaphore_mem>>) attributes {dimension_semantics = [#tpu.dimension_semantics<core_parallel>, #tpu.dimension_semantics<subcore_parallel>], iteration_bounds = array<i64: 2, 16>, scalar_prefetch = 0 : i64, scratch_operands = 5 : i64, tpu.core_type = #tpu.core_type<sc_vector_subcore>, window_params = [{transform_indices = #map}, {transform_indices = #map}]} {
    %mul3A = arith.constant 2 : i32
    %mul3A_0 = arith.muli %arg1, %mul3A : i32
    %add3A = arith.addi %mul3A_0, %arg0 : i32
    %mul3A_1 = arith.constant 4 : i32
    %mul3A_2 = arith.muli %add3A, %mul3A_1 : i32
    %broadcast_in_dim3A = arith.constant 1.000000e+00 : f32
    %broadcast_in_dim3A_3 = vector.broadcast %broadcast_in_dim3A : f32 to vector<16xf32>
    %swap3A = arith.constant 0 : index
    %swap3A_4 = tpu.vector_load %arg6[%swap3A] {strides = array<i32>} : memref<1024xf32, #tpu.memory_space<vmem>>, vector<16xf32>,
    %swap3A_5 = vector.shape_cast %swap3A_4 : vector<16xf32> to vector<16xf32>
    %swap3A_6 = vector.shape_cast %broadcast_in_dim3A_3 : vector<16xf32> to vector<16xf32>
    tpu.vector_store %arg6[%swap3A], %swap3A_6 {strides = array<i32>} : memref<1024xf32, #tpu.memory_space<vmem>>, vector<16xf32>,
    %broadcast_in_dim3A_7 = arith.constant 1.000000e+00 : f32
    %broadcast_in_dim3A_8 = vector.broadcast %broadcast_in_dim3A_7 : f32 to vector<16xf32>
    %swap3A_9 = arith.constant 16 : index
    %swap3A_10 = tpu.vector_load %arg6[%swap3A_9] {strides = array<i32>} : memref<1024xf32, #tpu.memory_space<vmem>>, vector<16xf32>,
    %swap3A_11 = vector.shape_cast %swap3A_10 : vector<16xf32> to vector<16xf32>
    %swap3A_12 = vector.shape_cast %broadcast_in_dim3A_8 : vector<16xf32> to vector<16xf32>
    tpu.vector_store %arg6[%swap3A_9], %swap3A_12 {strides = array<i32>} : memref<1024xf32, #tpu.memory_space<vmem>>, vector<16xf32>,
    %broadcast_in_dim3A_13 = arith.constant 1.000000e+00 : f32
    %broadcast_in_dim3A_14 = vector.broadcast %broadcast_in_dim3A_13 : f32 to vector<16xf32>
    %swap3A_15 = arith.constant 32 : index
    %swap3A_16 = tpu.vector_load %arg6[%swap3A_15] {strides = array<i32>} : memref<1024xf32, #tpu.memory_space<vmem>>, vector<16xf32>,
    %swap3A_17 = vector.shape_cast %swap3A_16 : vector<16xf32> to vector<16xf32>
    %swap3A_18 = vector.shape_cast %broadcast_in_dim3A_14 : vector<16xf32> to vector<16xf32>
    tpu.vector_store %arg6[%swap3A_15], %swap3A_18 {strides = array<i32>} : memref<1024xf32, #tpu.memory_space<vmem>>, vector<16xf32>,
    %broadcast_in_dim3A_19 = arith.constant 1.000000e+00 : f32
    %broadcast_in_dim3A_20 = vector.broadcast %broadcast_in_dim3A_19 : f32 to vector<16xf32>
    %swap3A_21 = arith.constant 48 : index
    %swap3A_22 = tpu.vector_load %arg6[%swap3A_21] {strides = array<i32>} : memref<1024xf32, #tpu.memory_space<vmem>>, vector<16xf32>,
    %swap3A_23 = vector.shape_cast %swap3A_22 : vector<16xf32> to vector<16xf32>
    %swap3A_24 = vector.shape_cast %broadcast_in_dim3A_20 : vector<16xf32> to vector<16xf32>
    tpu.vector_store %arg6[%swap3A_21], %swap3A_24 {strides = array<i32>} : memref<1024xf32, #tpu.memory_space<vmem>>, vector<16xf32>,
    %broadcast_in_dim3A_25 = arith.constant 1.000000e+00 : f32
    %broadcast_in_dim3A_26 = vector.broadcast %broadcast_in_dim3A_25 : f32 to vector<16xf32>
    %swap3A_27 = arith.constant 64 : index
    %swap3A_28 = tpu.vector_load %arg6[%swap3A_27] {strides = array<i32>} : memref<1024xf32, #tpu.memory_space<vmem>>, vector<16xf32>,
    %swap3A_29 = vector.shape_cast %swap3A_28 : vector<16xf32> to vector<16xf32>
    %swap3A_30 = vector.shape_cast %broadcast_in_dim3A_26 : vector<16xf32> to vector<16xf32>
    tpu.vector_store %arg6[%swap3A_27], %swap3A_30 {strides = array<i32>} : memref<1024xf32, #tpu.memory_space<vmem>>, vector<16xf32>,
    %broadcast_in_dim3A_31 = arith.constant 1.000000e+00 : f32
    %broadcast_in_dim3A_32 = vector.broadcast %broadcast_in_dim3A_31 : f32 to vector<16xf32>
    %swap3A_33 = arith.constant 80 : index
    %swap3A_34 = tpu.vector_load %arg6[%swap3A_33] {strides = array<i32>} : memref<1024xf32, #tpu.memory_space<vmem>>, vector<16xf32>,
    %swap3A_35 = vector.shape_cast %swap3A_34 : vector<16xf32> to vector<16xf32>
    %swap3A_36 = vector.shape_cast %broadcast_in_dim3A_32 : vector<16xf32> to vector<16xf32>
    tpu.vector_store %arg6[%swap3A_33], %swap3A_36 {strides = array<i32>} : memref<1024xf32, #tpu.memory_space<vmem>>, vector<16xf32>,
    %broadcast_in_dim3A_37 = arith.constant 1.000000e+00 : f32
    %broadcast_in_dim3A_38 = vector.broadcast %broadcast_in_dim3A_37 : f32 to vector<16xf32>
    %swap3A_39 = arith.constant 96 : index
    %swap3A_40 = tpu.vector_load %arg6[%swap3A_39] {strides = array<i32>} : memref<1024xf32, #tpu.memory_space<vmem>>, vector<16xf32>,
    %swap3A_41 = vector.shape_cast %swap3A_40 : vector<16xf32> to vector<16xf32>
    %swap3A_42 = vector.shape_cast %broadcast_in_dim3A_38 : vector<16xf32> to vector<16xf32>
    tpu.vector_store %arg6[%swap3A_39], %swap3A_42 {strides = array<i32>} : memref<1024xf32, #tpu.memory_space<vmem>>, vector<16xf32>,
    %broadcast_in_dim3A_43 = arith.constant 1.000000e+00 : f32
    %broadcast_in_dim3A_44 = vector.broadcast %broadcast_in_dim3A_43 : f32 to vector<16xf32>
    %swap3A_45 = arith.constant 112 : index
    %swap3A_46 = tpu.vector_load %arg6[%swap3A_45] {strides = array<i32>} : memref<1024xf32, #tpu.memory_space<vmem>>, vector<16xf32>,
    %swap3A_47 = vector.shape_cast %swap3A_46 : vector<16xf32> to vector<16xf32>
    %swap3A_48 = vector.shape_cast %broadcast_in_dim3A_44 : vector<16xf32> to vector<16xf32>
    tpu.vector_store %arg6[%swap3A_45], %swap3A_48 {strides = array<i32>} : memref<1024xf32, #tpu.memory_space<vmem>>, vector<16xf32>,
    %broadcast_in_dim3A_49 = arith.constant 1.000000e+00 : f32
    %broadcast_in_dim3A_50 = vector.broadcast %broadcast_in_dim3A_49 : f32 to vector<16xf32>
    %swap3A_51 = arith.constant 128 : index
    %swap3A_52 = tpu.vector_load %arg6[%swap3A_51] {strides = array<i32>} : memref<1024xf32, #tpu.memory_space<vmem>>, vector<16xf32>,
    %swap3A_53 = vector.shape_cast %swap3A_52 : vector<16xf32> to vector<16xf32>
    %swap3A_54 = vector.shape_cast %broadcast_in_dim3A_50 : vector<16xf32> to vector<16xf32>
    tpu.vector_store %arg6[%swap3A_51], %swap3A_54 {strides = array<i32>} : memref<1024xf32, #tpu.memory_space<vmem>>, vector<16xf32>,
    %broadcast_in_dim3A_55 = arith.constant 1.000000e+00 : f32
    %broadcast_in_dim3A_56 = vector.broadcast %broadcast_in_dim3A_55 : f32 to vector<16xf32>
    %swap3A_57 = arith.constant 144 : index
    %swap3A_58 = tpu.vector_load %arg6[%swap3A_57] {strides = array<i32>} : memref<1024xf32, #tpu.memory_space<vmem>>, vector<16xf32>,
    %swap3A_59 = vector.shape_cast %swap3A_58 : vector<16xf32> to vector<16xf32>
    %swap3A_60 = vector.shape_cast %broadcast_in_dim3A_56 : vector<16xf32> to vector<16xf32>
    tpu.vector_store %arg6[%swap3A_57], %swap3A_60 {strides = array<i32>} : memref<1024xf32, #tpu.memory_space<vmem>>, vector<16xf32>,
    %broadcast_in_dim3A_61 = arith.constant 1.000000e+00 : f32
    %broadcast_in_dim3A_62 = vector.broadcast %broadcast_in_dim3A_61 : f32 to vector<16xf32>
    %swap3A_63 = arith.constant 160 : index
    %swap3A_64 = tpu.vector_load %arg6[%swap3A_63] {strides = array<i32>} : memref<1024xf32, #tpu.memory_space<vmem>>, vector<16xf32>,
    %swap3A_65 = vector.shape_cast %swap3A_64 : vector<16xf32> to vector<16xf32>
    %swap3A_66 = vector.shape_cast %broadcast_in_dim3A_62 : vector<16xf32> to vector<16xf32>
    tpu.vector_store %arg6[%swap3A_63], %swap3A_66 {strides = array<i32>} : memref<1024xf32, #tpu.memory_space<vmem>>, vector<16xf32>,
    %broadcast_in_dim3A_67 = arith.constant 1.000000e+00 : f32
    %broadcast_in_dim3A_68 = vector.broadcast %broadcast_in_dim3A_67 : f32 to vector<16xf32>
    %swap3A_69 = arith.constant 176 : index
    %swap3A_70 = tpu.vector_load %arg6[%swap3A_69] {strides = array<i32>} : memref<1024xf32, #tpu.memory_space<vmem>>, vector<16xf32>,
    %swap3A_71 = vector.shape_cast %swap3A_70 : vector<16xf32> to vector<16xf32>
    %swap3A_72 = vector.shape_cast %broadcast_in_dim3A_68 : vector<16xf32> to vector<16xf32>
    tpu.vector_store %arg6[%swap3A_69], %swap3A_72 {strides = array<i32>} : memref<1024xf32, #tpu.memory_space<vmem>>, vector<16xf32>,
    %broadcast_in_dim3A_73 = arith.constant 1.000000e+00 : f32
    %broadcast_in_dim3A_74 = vector.broadcast %broadcast_in_dim3A_73 : f32 to vector<16xf32>
    %swap3A_75 = arith.constant 192 : index
    %swap3A_76 = tpu.vector_load %arg6[%swap3A_75] {strides = array<i32>} : memref<1024xf32, #tpu.memory_space<vmem>>, vector<16xf32>,
    %swap3A_77 = vector.shape_cast %swap3A_76 : vector<16xf32> to vector<16xf32>
    %swap3A_78 = vector.shape_cast %broadcast_in_dim3A_74 : vector<16xf32> to vector<16xf32>
    tpu.vector_store %arg6[%swap3A_75], %swap3A_78 {strides = array<i32>} : memref<1024xf32, #tpu.memory_space<vmem>>, vector<16xf32>,
    %broadcast_in_dim3A_79 = arith.constant 1.000000e+00 : f32
    %broadcast_in_dim3A_80 = vector.broadcast %broadcast_in_dim3A_79 : f32 to vector<16xf32>
    %swap3A_81 = arith.constant 208 : index
    %swap3A_82 = tpu.vector_load %arg6[%swap3A_81] {strides = array<i32>} : memref<1024xf32, #tpu.memory_space<vmem>>, vector<16xf32>,
    %swap3A_83 = vector.shape_cast %swap3A_82 : vector<16xf32> to vector<16xf32>
    %swap3A_84 = vector.shape_cast %broadcast_in_dim3A_80 : vector<16xf32> to vector<16xf32>
    tpu.vector_store %arg6[%swap3A_81], %swap3A_84 {strides = array<i32>} : memref<1024xf32, #tpu.memory_space<vmem>>, vector<16xf32>,
    %broadcast_in_dim3A_85 = arith.constant 1.000000e+00 : f32
    %broadcast_in_dim3A_86 = vector.broadcast %broadcast_in_dim3A_85 : f32 to vector<16xf32>
    %swap3A_87 = arith.constant 224 : index
    %swap3A_88 = tpu.vector_load %arg6[%swap3A_87] {strides = array<i32>} : memref<1024xf32, #tpu.memory_space<vmem>>, vector<16xf32>,
    %swap3A_89 = vector.shape_cast %swap3A_88 : vector<16xf32> to vector<16xf32>
    %swap3A_90 = vector.shape_cast %broadcast_in_dim3A_86 : vector<16xf32> to vector<16xf32>
    tpu.vector_store %arg6[%swap3A_87], %swap3A_90 {strides = array<i32>} : memref<1024xf32, #tpu.memory_space<vmem>>, vector<16xf32>,
    %broadcast_in_dim3A_91 = arith.constant 1.000000e+00 : f32
    %broadcast_in_dim3A_92 = vector.broadcast %broadcast_in_dim3A_91 : f32 to vector<16xf32>
    %swap3A_93 = arith.constant 240 : index
    %swap3A_94 = tpu.vector_load %arg6[%swap3A_93] {strides = array<i32>} : memref<1024xf32, #tpu.memory_space<vmem>>, vector<16xf32>,
    %swap3A_95 = vector.shape_cast %swap3A_94 : vector<16xf32> to vector<16xf32>
    %swap3A_96 = vector.shape_cast %broadcast_in_dim3A_92 : vector<16xf32> to vector<16xf32>
    tpu.vector_store %arg6[%swap3A_93], %swap3A_96 {strides = array<i32>} : memref<1024xf32, #tpu.memory_space<vmem>>, vector<16xf32>,
    %broadcast_in_dim3A_97 = arith.constant 1.000000e+00 : f32
    %broadcast_in_dim3A_98 = vector.broadcast %broadcast_in_dim3A_97 : f32 to vector<16xf32>
    %swap3A_99 = arith.constant 256 : index
    %swap3A_100 = tpu.vector_load %arg6[%swap3A_99] {strides = array<i32>} : memref<1024xf32, #tpu.memory_space<vmem>>, vector<16xf32>,
    %swap3A_101 = vector.shape_cast %swap3A_100 : vector<16xf32> to vector<16xf32>
    %swap3A_102 = vector.shape_cast %broadcast_in_dim3A_98 : vector<16xf32> to vector<16xf32>
    tpu.vector_store %arg6[%swap3A_99], %swap3A_102 {strides = array<i32>} : memref<1024xf32, #tpu.memory_space<vmem>>, vector<16xf32>,
    %broadcast_in_dim3A_103 = arith.constant 1.000000e+00 : f32
    %broadcast_in_dim3A_104 = vector.broadcast %broadcast_in_dim3A_103 : f32 to vector<16xf32>
    %swap3A_105 = arith.constant 272 : index
    %swap3A_106 = tpu.vector_load %arg6[%swap3A_105] {strides = array<i32>} : memref<1024xf32, #tpu.memory_space<vmem>>, vector<16xf32>,
    %swap3A_107 = vector.shape_cast %swap3A_106 : vector<16xf32> to vector<16xf32>
    %swap3A_108 = vector.shape_cast %broadcast_in_dim3A_104 : vector<16xf32> to vector<16xf32>
    tpu.vector_store %arg6[%swap3A_105], %swap3A_108 {strides = array<i32>} : memref<1024xf32, #tpu.memory_space<vmem>>, vector<16xf32>,
    %broadcast_in_dim3A_109 = arith.constant 1.000000e+00 : f32
    %broadcast_in_dim3A_110 = vector.broadcast %broadcast_in_dim3A_109 : f32 to vector<16xf32>
    %swap3A_111 = arith.constant 288 : index
    %swap3A_112 = tpu.vector_load %arg6[%swap3A_111] {strides = array<i32>} : memref<1024xf32, #tpu.memory_space<vmem>>, vector<16xf32>,
    %swap3A_113 = vector.shape_cast %swap3A_112 : vector<16xf32> to vector<16xf32>
    %swap3A_114 = vector.shape_cast %broadcast_in_dim3A_110 : vector<16xf32> to vector<16xf32>
    tpu.vector_store %arg6[%swap3A_111], %swap3A_114 {strides = array<i32>} : memref<1024xf32, #tpu.memory_space<vmem>>, vector<16xf32>,
    %broadcast_in_dim3A_115 = arith.constant 1.000000e+00 : f32
    %broadcast_in_dim3A_116 = vector.broadcast %broadcast_in_dim3A_115 : f32 to vector<16xf32>
    %swap3A_117 = arith.constant 304 : index
    %swap3A_118 = tpu.vector_load %arg6[%swap3A_117] {strides = array<i32>} : memref<1024xf32, #tpu.memory_space<vmem>>, vector<16xf32>,
    %swap3A_119 = vector.shape_cast %swap3A_118 : vector<16xf32> to vector<16xf32>
    %swap3A_120 = vector.shape_cast %broadcast_in_dim3A_116 : vector<16xf32> to vector<16xf32>
    tpu.vector_store %arg6[%swap3A_117], %swap3A_120 {strides = array<i32>} : memref<1024xf32, #tpu.memory_space<vmem>>, vector<16xf32>,
    %broadcast_in_dim3A_121 = arith.constant 1.000000e+00 : f32
    %broadcast_in_dim3A_122 = vector.broadcast %broadcast_in_dim3A_121 : f32 to vector<16xf32>
    %swap3A_123 = arith.constant 320 : index
    %swap3A_124 = tpu.vector_load %arg6[%swap3A_123] {strides = array<i32>} : memref<1024xf32, #tpu.memory_space<vmem>>, vector<16xf32>,
    %swap3A_125 = vector.shape_cast %swap3A_124 : vector<16xf32> to vector<16xf32>
    %swap3A_126 = vector.shape_cast %broadcast_in_dim3A_122 : vector<16xf32> to vector<16xf32>
    tpu.vector_store %arg6[%swap3A_123], %swap3A_126 {strides = array<i32>} : memref<1024xf32, #tpu.memory_space<vmem>>, vector<16xf32>,
    %broadcast_in_dim3A_127 = arith.constant 1.000000e+00 : f32
    %broadcast_in_dim3A_128 = vector.broadcast %broadcast_in_dim3A_127 : f32 to vector<16xf32>
    %swap3A_129 = arith.constant 336 : index
    %swap3A_130 = tpu.vector_load %arg6[%swap3A_129] {strides = array<i32>} : memref<1024xf32, #tpu.memory_space<vmem>>, vector<16xf32>,
    %swap3A_131 = vector.shape_cast %swap3A_130 : vector<16xf32> to vector<16xf32>
    %swap3A_132 = vector.shape_cast %broadcast_in_dim3A_128 : vector<16xf32> to vector<16xf32>
    tpu.vector_store %arg6[%swap3A_129], %swap3A_132 {strides = array<i32>} : memref<1024xf32, #tpu.memory_space<vmem>>, vector<16xf32>,
    %broadcast_in_dim3A_133 = arith.constant 1.000000e+00 : f32
    %broadcast_in_dim3A_134 = vector.broadcast %broadcast_in_dim3A_133 : f32 to vector<16xf32>
    %swap3A_135 = arith.constant 352 : index
    %swap3A_136 = tpu.vector_load %arg6[%swap3A_135] {strides = array<i32>} : memref<1024xf32, #tpu.memory_space<vmem>>, vector<16xf32>,
    %swap3A_137 = vector.shape_cast %swap3A_136 : vector<16xf32> to vector<16xf32>
    %swap3A_138 = vector.shape_cast %broadcast_in_dim3A_134 : vector<16xf32> to vector<16xf32>
    tpu.vector_store %arg6[%swap3A_135], %swap3A_138 {strides = array<i32>} : memref<1024xf32, #tpu.memory_space<vmem>>, vector<16xf32>,
    %broadcast_in_dim3A_139 = arith.constant 1.000000e+00 : f32
    %broadcast_in_dim3A_140 = vector.broadcast %broadcast_in_dim3A_139 : f32 to vector<16xf32>
    %swap3A_141 = arith.constant 368 : index
    %swap3A_142 = tpu.vector_load %arg6[%swap3A_141] {strides = array<i32>} : memref<1024xf32, #tpu.memory_space<vmem>>, vector<16xf32>,
    %swap3A_143 = vector.shape_cast %swap3A_142 : vector<16xf32> to vector<16xf32>
    %swap3A_144 = vector.shape_cast %broadcast_in_dim3A_140 : vector<16xf32> to vector<16xf32>
    tpu.vector_store %arg6[%swap3A_141], %swap3A_144 {strides = array<i32>} : memref<1024xf32, #tpu.memory_space<vmem>>, vector<16xf32>,
    %broadcast_in_dim3A_145 = arith.constant 1.000000e+00 : f32
    %broadcast_in_dim3A_146 = vector.broadcast %broadcast_in_dim3A_145 : f32 to vector<16xf32>
    %swap3A_147 = arith.constant 384 : index
    %swap3A_148 = tpu.vector_load %arg6[%swap3A_147] {strides = array<i32>} : memref<1024xf32, #tpu.memory_space<vmem>>, vector<16xf32>,
    %swap3A_149 = vector.shape_cast %swap3A_148 : vector<16xf32> to vector<16xf32>
    %swap3A_150 = vector.shape_cast %broadcast_in_dim3A_146 : vector<16xf32> to vector<16xf32>
    tpu.vector_store %arg6[%swap3A_147], %swap3A_150 {strides = array<i32>} : memref<1024xf32, #tpu.memory_space<vmem>>, vector<16xf32>,
    %broadcast_in_dim3A_151 = arith.constant 1.000000e+00 : f32
    %broadcast_in_dim3A_152 = vector.broadcast %broadcast_in_dim3A_151 : f32 to vector<16xf32>
    %swap3A_153 = arith.constant 400 : index
    %swap3A_154 = tpu.vector_load %arg6[%swap3A_153] {strides = array<i32>} : memref<1024xf32, #tpu.memory_space<vmem>>, vector<16xf32>,
    %swap3A_155 = vector.shape_cast %swap3A_154 : vector<16xf32> to vector<16xf32>
    %swap3A_156 = vector.shape_cast %broadcast_in_dim3A_152 : vector<16xf32> to vector<16xf32>
    tpu.vector_store %arg6[%swap3A_153], %swap3A_156 {strides = array<i32>} : memref<1024xf32, #tpu.memory_space<vmem>>, vector<16xf32>,
    %broadcast_in_dim3A_157 = arith.constant 1.000000e+00 : f32
    %broadcast_in_dim3A_158 = vector.broadcast %broadcast_in_dim3A_157 : f32 to vector<16xf32>
    %swap3A_159 = arith.constant 416 : index
    %swap3A_160 = tpu.vector_load %arg6[%swap3A_159] {strides = array<i32>} : memref<1024xf32, #tpu.memory_space<vmem>>, vector<16xf32>,
    %swap3A_161 = vector.shape_cast %swap3A_160 : vector<16xf32> to vector<16xf32>
    %swap3A_162 = vector.shape_cast %broadcast_in_dim3A_158 : vector<16xf32> to vector<16xf32>
    tpu.vector_store %arg6[%swap3A_159], %swap3A_162 {strides = array<i32>} : memref<1024xf32, #tpu.memory_space<vmem>>, vector<16xf32>,
    %broadcast_in_dim3A_163 = arith.constant 1.000000e+00 : f32
    %broadcast_in_dim3A_164 = vector.broadcast %broadcast_in_dim3A_163 : f32 to vector<16xf32>
    %swap3A_165 = arith.constant 432 : index
    %swap3A_166 = tpu.vector_load %arg6[%swap3A_165] {strides = array<i32>} : memref<1024xf32, #tpu.memory_space<vmem>>, vector<16xf32>,
    %swap3A_167 = vector.shape_cast %swap3A_166 : vector<16xf32> to vector<16xf32>
    %swap3A_168 = vector.shape_cast %broadcast_in_dim3A_164 : vector<16xf32> to vector<16xf32>
    tpu.vector_store %arg6[%swap3A_165], %swap3A_168 {strides = array<i32>} : memref<1024xf32, #tpu.memory_space<vmem>>, vector<16xf32>,
    %broadcast_in_dim3A_169 = arith.constant 1.000000e+00 : f32
    %broadcast_in_dim3A_170 = vector.broadcast %broadcast_in_dim3A_169 : f32 to vector<16xf32>
    %swap3A_171 = arith.constant 448 : index
    %swap3A_172 = tpu.vector_load %arg6[%swap3A_171] {strides = array<i32>} : memref<1024xf32, #tpu.memory_space<vmem>>, vector<16xf32>,
    %swap3A_173 = vector.shape_cast %swap3A_172 : vector<16xf32> to vector<16xf32>
    %swap3A_174 = vector.shape_cast %broadcast_in_dim3A_170 : vector<16xf32> to vector<16xf32>
    tpu.vector_store %arg6[%swap3A_171], %swap3A_174 {strides = array<i32>} : memref<1024xf32, #tpu.memory_space<vmem>>, vector<16xf32>,
    %broadcast_in_dim3A_175 = arith.constant 1.000000e+00 : f32
    %broadcast_in_dim3A_176 = vector.broadcast %broadcast_in_dim3A_175 : f32 to vector<16xf32>
    %swap3A_177 = arith.constant 464 : index
    %swap3A_178 = tpu.vector_load %arg6[%swap3A_177] {strides = array<i32>} : memref<1024xf32, #tpu.memory_space<vmem>>, vector<16xf32>,
    %swap3A_179 = vector.shape_cast %swap3A_178 : vector<16xf32> to vector<16xf32>
    %swap3A_180 = vector.shape_cast %broadcast_in_dim3A_176 : vector<16xf32> to vector<16xf32>
    tpu.vector_store %arg6[%swap3A_177], %swap3A_180 {strides = array<i32>} : memref<1024xf32, #tpu.memory_space<vmem>>, vector<16xf32>,
    %broadcast_in_dim3A_181 = arith.constant 1.000000e+00 : f32
    %broadcast_in_dim3A_182 = vector.broadcast %broadcast_in_dim3A_181 : f32 to vector<16xf32>
    %swap3A_183 = arith.constant 480 : index
    %swap3A_184 = tpu.vector_load %arg6[%swap3A_183] {strides = array<i32>} : memref<1024xf32, #tpu.memory_space<vmem>>, vector<16xf32>,
    %swap3A_185 = vector.shape_cast %swap3A_184 : vector<16xf32> to vector<16xf32>
    %swap3A_186 = vector.shape_cast %broadcast_in_dim3A_182 : vector<16xf32> to vector<16xf32>
    tpu.vector_store %arg6[%swap3A_183], %swap3A_186 {strides = array<i32>} : memref<1024xf32, #tpu.memory_space<vmem>>, vector<16xf32>,
    %broadcast_in_dim3A_187 = arith.constant 1.000000e+00 : f32
    %broadcast_in_dim3A_188 = vector.broadcast %broadcast_in_dim3A_187 : f32 to vector<16xf32>
    %swap3A_189 = arith.constant 496 : index
    %swap3A_190 = tpu.vector_load %arg6[%swap3A_189] {strides = array<i32>} : memref<1024xf32, #tpu.memory_space<vmem>>, vector<16xf32>,
    %swap3A_191 = vector.shape_cast %swap3A_190 : vector<16xf32> to vector<16xf32>
    %swap3A_192 = vector.shape_cast %broadcast_in_dim3A_188 : vector<16xf32> to vector<16xf32>
    tpu.vector_store %arg6[%swap3A_189], %swap3A_192 {strides = array<i32>} : memref<1024xf32, #tpu.memory_space<vmem>>, vector<16xf32>,
    %broadcast_in_dim3A_193 = arith.constant 1.000000e+00 : f32
    %broadcast_in_dim3A_194 = vector.broadcast %broadcast_in_dim3A_193 : f32 to vector<16xf32>
    %swap3A_195 = arith.constant 512 : index
    %swap3A_196 = tpu.vector_load %arg6[%swap3A_195] {strides = array<i32>} : memref<1024xf32, #tpu.memory_space<vmem>>, vector<16xf32>,
    %swap3A_197 = vector.shape_cast %swap3A_196 : vector<16xf32> to vector<16xf32>
    %swap3A_198 = vector.shape_cast %broadcast_in_dim3A_194 : vector<16xf32> to vector<16xf32>
    tpu.vector_store %arg6[%swap3A_195], %swap3A_198 {strides = array<i32>} : memref<1024xf32, #tpu.memory_space<vmem>>, vector<16xf32>,
    %broadcast_in_dim3A_199 = arith.constant 1.000000e+00 : f32
    %broadcast_in_dim3A_200 = vector.broadcast %broadcast_in_dim3A_199 : f32 to vector<16xf32>
    %swap3A_201 = arith.constant 528 : index
    %swap3A_202 = tpu.vector_load %arg6[%swap3A_201] {strides = array<i32>} : memref<1024xf32, #tpu.memory_space<vmem>>, vector<16xf32>,
    %swap3A_203 = vector.shape_cast %swap3A_202 : vector<16xf32> to vector<16xf32>
    %swap3A_204 = vector.shape_cast %broadcast_in_dim3A_200 : vector<16xf32> to vector<16xf32>
    tpu.vector_store %arg6[%swap3A_201], %swap3A_204 {strides = array<i32>} : memref<1024xf32, #tpu.memory_space<vmem>>, vector<16xf32>,
    %broadcast_in_dim3A_205 = arith.constant 1.000000e+00 : f32
    %broadcast_in_dim3A_206 = vector.broadcast %broadcast_in_dim3A_205 : f32 to vector<16xf32>
    %swap3A_207 = arith.constant 544 : index
    %swap3A_208 = tpu.vector_load %arg6[%swap3A_207] {strides = array<i32>} : memref<1024xf32, #tpu.memory_space<vmem>>, vector<16xf32>,
    %swap3A_209 = vector.shape_cast %swap3A_208 : vector<16xf32> to vector<16xf32>
    %swap3A_210 = vector.shape_cast %broadcast_in_dim3A_206 : vector<16xf32> to vector<16xf32>
    tpu.vector_store %arg6[%swap3A_207], %swap3A_210 {strides = array<i32>} : memref<1024xf32, #tpu.memory_space<vmem>>, vector<16xf32>,
    %broadcast_in_dim3A_211 = arith.constant 1.000000e+00 : f32
    %broadcast_in_dim3A_212 = vector.broadcast %broadcast_in_dim3A_211 : f32 to vector<16xf32>
    %swap3A_213 = arith.constant 560 : index
    %swap3A_214 = tpu.vector_load %arg6[%swap3A_213] {strides = array<i32>} : memref<1024xf32, #tpu.memory_space<vmem>>, vector<16xf32>,
    %swap3A_215 = vector.shape_cast %swap3A_214 : vector<16xf32> to vector<16xf32>
    %swap3A_216 = vector.shape_cast %broadcast_in_dim3A_212 : vector<16xf32> to vector<16xf32>
    tpu.vector_store %arg6[%swap3A_213], %swap3A_216 {strides = array<i32>} : memref<1024xf32, #tpu.memory_space<vmem>>, vector<16xf32>,
    %broadcast_in_dim3A_217 = arith.constant 1.000000e+00 : f32
    %broadcast_in_dim3A_218 = vector.broadcast %broadcast_in_dim3A_217 : f32 to vector<16xf32>
    %swap3A_219 = arith.constant 576 : index
    %swap3A_220 = tpu.vector_load %arg6[%swap3A_219] {strides = array<i32>} : memref<1024xf32, #tpu.memory_space<vmem>>, vector<16xf32>,
    %swap3A_221 = vector.shape_cast %swap3A_220 : vector<16xf32> to vector<16xf32>
    %swap3A_222 = vector.shape_cast %broadcast_in_dim3A_218 : vector<16xf32> to vector<16xf32>
    tpu.vector_store %arg6[%swap3A_219], %swap3A_222 {strides = array<i32>} : memref<1024xf32, #tpu.memory_space<vmem>>, vector<16xf32>,
    %broadcast_in_dim3A_223 = arith.constant 1.000000e+00 : f32
    %broadcast_in_dim3A_224 = vector.broadcast %broadcast_in_dim3A_223 : f32 to vector<16xf32>
    %swap3A_225 = arith.constant 592 : index
    %swap3A_226 = tpu.vector_load %arg6[%swap3A_225] {strides = array<i32>} : memref<1024xf32, #tpu.memory_space<vmem>>, vector<16xf32>,
    %swap3A_227 = vector.shape_cast %swap3A_226 : vector<16xf32> to vector<16xf32>
    %swap3A_228 = vector.shape_cast %broadcast_in_dim3A_224 : vector<16xf32> to vector<16xf32>
    tpu.vector_store %arg6[%swap3A_225], %swap3A_228 {strides = array<i32>} : memref<1024xf32, #tpu.memory_space<vmem>>, vector<16xf32>,
    %broadcast_in_dim3A_229 = arith.constant 1.000000e+00 : f32
    %broadcast_in_dim3A_230 = vector.broadcast %broadcast_in_dim3A_229 : f32 to vector<16xf32>
    %swap3A_231 = arith.constant 608 : index
    %swap3A_232 = tpu.vector_load %arg6[%swap3A_231] {strides = array<i32>} : memref<1024xf32, #tpu.memory_space<vmem>>, vector<16xf32>,
    %swap3A_233 = vector.shape_cast %swap3A_232 : vector<16xf32> to vector<16xf32>
    %swap3A_234 = vector.shape_cast %broadcast_in_dim3A_230 : vector<16xf32> to vector<16xf32>
    tpu.vector_store %arg6[%swap3A_231], %swap3A_234 {strides = array<i32>} : memref<1024xf32, #tpu.memory_space<vmem>>, vector<16xf32>,
    %broadcast_in_dim3A_235 = arith.constant 1.000000e+00 : f32
    %broadcast_in_dim3A_236 = vector.broadcast %broadcast_in_dim3A_235 : f32 to vector<16xf32>
    %swap3A_237 = arith.constant 624 : index
    %swap3A_238 = tpu.vector_load %arg6[%swap3A_237] {strides = array<i32>} : memref<1024xf32, #tpu.memory_space<vmem>>, vector<16xf32>,
    %swap3A_239 = vector.shape_cast %swap3A_238 : vector<16xf32> to vector<16xf32>
    %swap3A_240 = vector.shape_cast %broadcast_in_dim3A_236 : vector<16xf32> to vector<16xf32>
    tpu.vector_store %arg6[%swap3A_237], %swap3A_240 {strides = array<i32>} : memref<1024xf32, #tpu.memory_space<vmem>>, vector<16xf32>,
    %broadcast_in_dim3A_241 = arith.constant 1.000000e+00 : f32
    %broadcast_in_dim3A_242 = vector.broadcast %broadcast_in_dim3A_241 : f32 to vector<16xf32>
    %swap3A_243 = arith.constant 640 : index
    %swap3A_244 = tpu.vector_load %arg6[%swap3A_243] {strides = array<i32>} : memref<1024xf32, #tpu.memory_space<vmem>>, vector<16xf32>,
    %swap3A_245 = vector.shape_cast %swap3A_244 : vector<16xf32> to vector<16xf32>
    %swap3A_246 = vector.shape_cast %broadcast_in_dim3A_242 : vector<16xf32> to vector<16xf32>
    tpu.vector_store %arg6[%swap3A_243], %swap3A_246 {strides = array<i32>} : memref<1024xf32, #tpu.memory_space<vmem>>, vector<16xf32>,
    %broadcast_in_dim3A_247 = arith.constant 1.000000e+00 : f32
    %broadcast_in_dim3A_248 = vector.broadcast %broadcast_in_dim3A_247 : f32 to vector<16xf32>
    %swap3A_249 = arith.constant 656 : index
    %swap3A_250 = tpu.vector_load %arg6[%swap3A_249] {strides = array<i32>} : memref<1024xf32, #tpu.memory_space<vmem>>, vector<16xf32>,
    %swap3A_251 = vector.shape_cast %swap3A_250 : vector<16xf32> to vector<16xf32>
    %swap3A_252 = vector.shape_cast %broadcast_in_dim3A_248 : vector<16xf32> to vector<16xf32>
    tpu.vector_store %arg6[%swap3A_249], %swap3A_252 {strides = array<i32>} : memref<1024xf32, #tpu.memory_space<vmem>>, vector<16xf32>,
    %broadcast_in_dim3A_253 = arith.constant 1.000000e+00 : f32
    %broadcast_in_dim3A_254 = vector.broadcast %broadcast_in_dim3A_253 : f32 to vector<16xf32>
    %swap3A_255 = arith.constant 672 : index
    %swap3A_256 = tpu.vector_load %arg6[%swap3A_255] {strides = array<i32>} : memref<1024xf32, #tpu.memory_space<vmem>>, vector<16xf32>,
    %swap3A_257 = vector.shape_cast %swap3A_256 : vector<16xf32> to vector<16xf32>
    %swap3A_258 = vector.shape_cast %broadcast_in_dim3A_254 : vector<16xf32> to vector<16xf32>
    tpu.vector_store %arg6[%swap3A_255], %swap3A_258 {strides = array<i32>} : memref<1024xf32, #tpu.memory_space<vmem>>, vector<16xf32>,
    %broadcast_in_dim3A_259 = arith.constant 1.000000e+00 : f32
    %broadcast_in_dim3A_260 = vector.broadcast %broadcast_in_dim3A_259 : f32 to vector<16xf32>
    %swap3A_261 = arith.constant 688 : index
    %swap3A_262 = tpu.vector_load %arg6[%swap3A_261] {strides = array<i32>} : memref<1024xf32, #tpu.memory_space<vmem>>, vector<16xf32>,
    %swap3A_263 = vector.shape_cast %swap3A_262 : vector<16xf32> to vector<16xf32>
    %swap3A_264 = vector.shape_cast %broadcast_in_dim3A_260 : vector<16xf32> to vector<16xf32>
    tpu.vector_store %arg6[%swap3A_261], %swap3A_264 {strides = array<i32>} : memref<1024xf32, #tpu.memory_space<vmem>>, vector<16xf32>,
    %broadcast_in_dim3A_265 = arith.constant 1.000000e+00 : f32
    %broadcast_in_dim3A_266 = vector.broadcast %broadcast_in_dim3A_265 : f32 to vector<16xf32>
    %swap3A_267 = arith.constant 704 : index
    %swap3A_268 = tpu.vector_load %arg6[%swap3A_267] {strides = array<i32>} : memref<1024xf32, #tpu.memory_space<vmem>>, vector<16xf32>,
    %swap3A_269 = vector.shape_cast %swap3A_268 : vector<16xf32> to vector<16xf32>
    %swap3A_270 = vector.shape_cast %broadcast_in_dim3A_266 : vector<16xf32> to vector<16xf32>
    tpu.vector_store %arg6[%swap3A_267], %swap3A_270 {strides = array<i32>} : memref<1024xf32, #tpu.memory_space<vmem>>, vector<16xf32>,
    %broadcast_in_dim3A_271 = arith.constant 1.000000e+00 : f32
    %broadcast_in_dim3A_272 = vector.broadcast %broadcast_in_dim3A_271 : f32 to vector<16xf32>
    %swap3A_273 = arith.constant 720 : index
    %swap3A_274 = tpu.vector_load %arg6[%swap3A_273] {strides = array<i32>} : memref<1024xf32, #tpu.memory_space<vmem>>, vector<16xf32>,
    %swap3A_275 = vector.shape_cast %swap3A_274 : vector<16xf32> to vector<16xf32>
    %swap3A_276 = vector.shape_cast %broadcast_in_dim3A_272 : vector<16xf32> to vector<16xf32>
    tpu.vector_store %arg6[%swap3A_273], %swap3A_276 {strides = array<i32>} : memref<1024xf32, #tpu.memory_space<vmem>>, vector<16xf32>,
    %broadcast_in_dim3A_277 = arith.constant 1.000000e+00 : f32
    %broadcast_in_dim3A_278 = vector.broadcast %broadcast_in_dim3A_277 : f32 to vector<16xf32>
    %swap3A_279 = arith.constant 736 : index
    %swap3A_280 = tpu.vector_load %arg6[%swap3A_279] {strides = array<i32>} : memref<1024xf32, #tpu.memory_space<vmem>>, vector<16xf32>,
    %swap3A_281 = vector.shape_cast %swap3A_280 : vector<16xf32> to vector<16xf32>
    %swap3A_282 = vector.shape_cast %broadcast_in_dim3A_278 : vector<16xf32> to vector<16xf32>
    tpu.vector_store %arg6[%swap3A_279], %swap3A_282 {strides = array<i32>} : memref<1024xf32, #tpu.memory_space<vmem>>, vector<16xf32>,
    %broadcast_in_dim3A_283 = arith.constant 1.000000e+00 : f32
    %broadcast_in_dim3A_284 = vector.broadcast %broadcast_in_dim3A_283 : f32 to vector<16xf32>
    %swap3A_285 = arith.constant 752 : index
    %swap3A_286 = tpu.vector_load %arg6[%swap3A_285] {strides = array<i32>} : memref<1024xf32, #tpu.memory_space<vmem>>, vector<16xf32>,
    %swap3A_287 = vector.shape_cast %swap3A_286 : vector<16xf32> to vector<16xf32>
    %swap3A_288 = vector.shape_cast %broadcast_in_dim3A_284 : vector<16xf32> to vector<16xf32>
    tpu.vector_store %arg6[%swap3A_285], %swap3A_288 {strides = array<i32>} : memref<1024xf32, #tpu.memory_space<vmem>>, vector<16xf32>,
    %broadcast_in_dim3A_289 = arith.constant 1.000000e+00 : f32
    %broadcast_in_dim3A_290 = vector.broadcast %broadcast_in_dim3A_289 : f32 to vector<16xf32>
    %swap3A_291 = arith.constant 768 : index
    %swap3A_292 = tpu.vector_load %arg6[%swap3A_291] {strides = array<i32>} : memref<1024xf32, #tpu.memory_space<vmem>>, vector<16xf32>,
    %swap3A_293 = vector.shape_cast %swap3A_292 : vector<16xf32> to vector<16xf32>
    %swap3A_294 = vector.shape_cast %broadcast_in_dim3A_290 : vector<16xf32> to vector<16xf32>
    tpu.vector_store %arg6[%swap3A_291], %swap3A_294 {strides = array<i32>} : memref<1024xf32, #tpu.memory_space<vmem>>, vector<16xf32>,
    %broadcast_in_dim3A_295 = arith.constant 1.000000e+00 : f32
    %broadcast_in_dim3A_296 = vector.broadcast %broadcast_in_dim3A_295 : f32 to vector<16xf32>
    %swap3A_297 = arith.constant 784 : index
    %swap3A_298 = tpu.vector_load %arg6[%swap3A_297] {strides = array<i32>} : memref<1024xf32, #tpu.memory_space<vmem>>, vector<16xf32>,
    %swap3A_299 = vector.shape_cast %swap3A_298 : vector<16xf32> to vector<16xf32>
    %swap3A_300 = vector.shape_cast %broadcast_in_dim3A_296 : vector<16xf32> to vector<16xf32>
    tpu.vector_store %arg6[%swap3A_297], %swap3A_300 {strides = array<i32>} : memref<1024xf32, #tpu.memory_space<vmem>>, vector<16xf32>,
    %broadcast_in_dim3A_301 = arith.constant 1.000000e+00 : f32
    %broadcast_in_dim3A_302 = vector.broadcast %broadcast_in_dim3A_301 : f32 to vector<16xf32>
    %swap3A_303 = arith.constant 800 : index
    %swap3A_304 = tpu.vector_load %arg6[%swap3A_303] {strides = array<i32>} : memref<1024xf32, #tpu.memory_space<vmem>>, vector<16xf32>,
    %swap3A_305 = vector.shape_cast %swap3A_304 : vector<16xf32> to vector<16xf32>
    %swap3A_306 = vector.shape_cast %broadcast_in_dim3A_302 : vector<16xf32> to vector<16xf32>
    tpu.vector_store %arg6[%swap3A_303], %swap3A_306 {strides = array<i32>} : memref<1024xf32, #tpu.memory_space<vmem>>, vector<16xf32>,
    %broadcast_in_dim3A_307 = arith.constant 1.000000e+00 : f32
    %broadcast_in_dim3A_308 = vector.broadcast %broadcast_in_dim3A_307 : f32 to vector<16xf32>
    %swap3A_309 = arith.constant 816 : index
    %swap3A_310 = tpu.vector_load %arg6[%swap3A_309] {strides = array<i32>} : memref<1024xf32, #tpu.memory_space<vmem>>, vector<16xf32>,
    %swap3A_311 = vector.shape_cast %swap3A_310 : vector<16xf32> to vector<16xf32>
    %swap3A_312 = vector.shape_cast %broadcast_in_dim3A_308 : vector<16xf32> to vector<16xf32>
    tpu.vector_store %arg6[%swap3A_309], %swap3A_312 {strides = array<i32>} : memref<1024xf32, #tpu.memory_space<vmem>>, vector<16xf32>,
    %broadcast_in_dim3A_313 = arith.constant 1.000000e+00 : f32
    %broadcast_in_dim3A_314 = vector.broadcast %broadcast_in_dim3A_313 : f32 to vector<16xf32>
    %swap3A_315 = arith.constant 832 : index
    %swap3A_316 = tpu.vector_load %arg6[%swap3A_315] {strides = array<i32>} : memref<1024xf32, #tpu.memory_space<vmem>>, vector<16xf32>,
    %swap3A_317 = vector.shape_cast %swap3A_316 : vector<16xf32> to vector<16xf32>
    %swap3A_318 = vector.shape_cast %broadcast_in_dim3A_314 : vector<16xf32> to vector<16xf32>
    tpu.vector_store %arg6[%swap3A_315], %swap3A_318 {strides = array<i32>} : memref<1024xf32, #tpu.memory_space<vmem>>, vector<16xf32>,
    %broadcast_in_dim3A_319 = arith.constant 1.000000e+00 : f32
    %broadcast_in_dim3A_320 = vector.broadcast %broadcast_in_dim3A_319 : f32 to vector<16xf32>
    %swap3A_321 = arith.constant 848 : index
    %swap3A_322 = tpu.vector_load %arg6[%swap3A_321] {strides = array<i32>} : memref<1024xf32, #tpu.memory_space<vmem>>, vector<16xf32>,
    %swap3A_323 = vector.shape_cast %swap3A_322 : vector<16xf32> to vector<16xf32>
    %swap3A_324 = vector.shape_cast %broadcast_in_dim3A_320 : vector<16xf32> to vector<16xf32>
    tpu.vector_store %arg6[%swap3A_321], %swap3A_324 {strides = array<i32>} : memref<1024xf32, #tpu.memory_space<vmem>>, vector<16xf32>,
    %broadcast_in_dim3A_325 = arith.constant 1.000000e+00 : f32
    %broadcast_in_dim3A_326 = vector.broadcast %broadcast_in_dim3A_325 : f32 to vector<16xf32>
    %swap3A_327 = arith.constant 864 : index
    %swap3A_328 = tpu.vector_load %arg6[%swap3A_327] {strides = array<i32>} : memref<1024xf32, #tpu.memory_space<vmem>>, vector<16xf32>,
    %swap3A_329 = vector.shape_cast %swap3A_328 : vector<16xf32> to vector<16xf32>
    %swap3A_330 = vector.shape_cast %broadcast_in_dim3A_326 : vector<16xf32> to vector<16xf32>
    tpu.vector_store %arg6[%swap3A_327], %swap3A_330 {strides = array<i32>} : memref<1024xf32, #tpu.memory_space<vmem>>, vector<16xf32>,
    %broadcast_in_dim3A_331 = arith.constant 1.000000e+00 : f32
    %broadcast_in_dim3A_332 = vector.broadcast %broadcast_in_dim3A_331 : f32 to vector<16xf32>
    %swap3A_333 = arith.constant 880 : index
    %swap3A_334 = tpu.vector_load %arg6[%swap3A_333] {strides = array<i32>} : memref<1024xf32, #tpu.memory_space<vmem>>, vector<16xf32>,
    %swap3A_335 = vector.shape_cast %swap3A_334 : vector<16xf32> to vector<16xf32>
    %swap3A_336 = vector.shape_cast %broadcast_in_dim3A_332 : vector<16xf32> to vector<16xf32>
    tpu.vector_store %arg6[%swap3A_333], %swap3A_336 {strides = array<i32>} : memref<1024xf32, #tpu.memory_space<vmem>>, vector<16xf32>,
    %broadcast_in_dim3A_337 = arith.constant 1.000000e+00 : f32
    %broadcast_in_dim3A_338 = vector.broadcast %broadcast_in_dim3A_337 : f32 to vector<16xf32>
    %swap3A_339 = arith.constant 896 : index
    %swap3A_340 = tpu.vector_load %arg6[%swap3A_339] {strides = array<i32>} : memref<1024xf32, #tpu.memory_space<vmem>>, vector<16xf32>,
    %swap3A_341 = vector.shape_cast %swap3A_340 : vector<16xf32> to vector<16xf32>
    %swap3A_342 = vector.shape_cast %broadcast_in_dim3A_338 : vector<16xf32> to vector<16xf32>
    tpu.vector_store %arg6[%swap3A_339], %swap3A_342 {strides = array<i32>} : memref<1024xf32, #tpu.memory_space<vmem>>, vector<16xf32>,
    %broadcast_in_dim3A_343 = arith.constant 1.000000e+00 : f32
    %broadcast_in_dim3A_344 = vector.broadcast %broadcast_in_dim3A_343 : f32 to vector<16xf32>
    %swap3A_345 = arith.constant 912 : index
    %swap3A_346 = tpu.vector_load %arg6[%swap3A_345] {strides = array<i32>} : memref<1024xf32, #tpu.memory_space<vmem>>, vector<16xf32>,
    %swap3A_347 = vector.shape_cast %swap3A_346 : vector<16xf32> to vector<16xf32>
    %swap3A_348 = vector.shape_cast %broadcast_in_dim3A_344 : vector<16xf32> to vector<16xf32>
    tpu.vector_store %arg6[%swap3A_345], %swap3A_348 {strides = array<i32>} : memref<1024xf32, #tpu.memory_space<vmem>>, vector<16xf32>,
    %broadcast_in_dim3A_349 = arith.constant 1.000000e+00 : f32
    %broadcast_in_dim3A_350 = vector.broadcast %broadcast_in_dim3A_349 : f32 to vector<16xf32>
    %swap3A_351 = arith.constant 928 : index
    %swap3A_352 = tpu.vector_load %arg6[%swap3A_351] {strides = array<i32>} : memref<1024xf32, #tpu.memory_space<vmem>>, vector<16xf32>,
    %swap3A_353 = vector.shape_cast %swap3A_352 : vector<16xf32> to vector<16xf32>
    %swap3A_354 = vector.shape_cast %broadcast_in_dim3A_350 : vector<16xf32> to vector<16xf32>
    tpu.vector_store %arg6[%swap3A_351], %swap3A_354 {strides = array<i32>} : memref<1024xf32, #tpu.memory_space<vmem>>, vector<16xf32>,
    %broadcast_in_dim3A_355 = arith.constant 1.000000e+00 : f32
    %broadcast_in_dim3A_356 = vector.broadcast %broadcast_in_dim3A_355 : f32 to vector<16xf32>
    %swap3A_357 = arith.constant 944 : index
    %swap3A_358 = tpu.vector_load %arg6[%swap3A_357] {strides = array<i32>} : memref<1024xf32, #tpu.memory_space<vmem>>, vector<16xf32>,
    %swap3A_359 = vector.shape_cast %swap3A_358 : vector<16xf32> to vector<16xf32>
    %swap3A_360 = vector.shape_cast %broadcast_in_dim3A_356 : vector<16xf32> to vector<16xf32>
    tpu.vector_store %arg6[%swap3A_357], %swap3A_360 {strides = array<i32>} : memref<1024xf32, #tpu.memory_space<vmem>>, vector<16xf32>,
    %broadcast_in_dim3A_361 = arith.constant 1.000000e+00 : f32
    %broadcast_in_dim3A_362 = vector.broadcast %broadcast_in_dim3A_361 : f32 to vector<16xf32>
    %swap3A_363 = arith.constant 960 : index
    %swap3A_364 = tpu.vector_load %arg6[%swap3A_363] {strides = array<i32>} : memref<1024xf32, #tpu.memory_space<vmem>>, vector<16xf32>,
    %swap3A_365 = vector.shape_cast %swap3A_364 : vector<16xf32> to vector<16xf32>
    %swap3A_366 = vector.shape_cast %broadcast_in_dim3A_362 : vector<16xf32> to vector<16xf32>
    tpu.vector_store %arg6[%swap3A_363], %swap3A_366 {strides = array<i32>} : memref<1024xf32, #tpu.memory_space<vmem>>, vector<16xf32>,
    %broadcast_in_dim3A_367 = arith.constant 1.000000e+00 : f32
    %broadcast_in_dim3A_368 = vector.broadcast %broadcast_in_dim3A_367 : f32 to vector<16xf32>
    %swap3A_369 = arith.constant 976 : index
    %swap3A_370 = tpu.vector_load %arg6[%swap3A_369] {strides = array<i32>} : memref<1024xf32, #tpu.memory_space<vmem>>, vector<16xf32>,
    %swap3A_371 = vector.shape_cast %swap3A_370 : vector<16xf32> to vector<16xf32>
    %swap3A_372 = vector.shape_cast %broadcast_in_dim3A_368 : vector<16xf32> to vector<16xf32>
    tpu.vector_store %arg6[%swap3A_369], %swap3A_372 {strides = array<i32>} : memref<1024xf32, #tpu.memory_space<vmem>>, vector<16xf32>,
    %broadcast_in_dim3A_373 = arith.constant 1.000000e+00 : f32
    %broadcast_in_dim3A_374 = vector.broadcast %broadcast_in_dim3A_373 : f32 to vector<16xf32>
    %swap3A_375 = arith.constant 992 : index
    %swap3A_376 = tpu.vector_load %arg6[%swap3A_375] {strides = array<i32>} : memref<1024xf32, #tpu.memory_space<vmem>>, vector<16xf32>,
    %swap3A_377 = vector.shape_cast %swap3A_376 : vector<16xf32> to vector<16xf32>
    %swap3A_378 = vector.shape_cast %broadcast_in_dim3A_374 : vector<16xf32> to vector<16xf32>
    tpu.vector_store %arg6[%swap3A_375], %swap3A_378 {strides = array<i32>} : memref<1024xf32, #tpu.memory_space<vmem>>, vector<16xf32>,
    %broadcast_in_dim3A_379 = arith.constant 1.000000e+00 : f32
    %broadcast_in_dim3A_380 = vector.broadcast %broadcast_in_dim3A_379 : f32 to vector<16xf32>
    %swap3A_381 = arith.constant 1008 : index
    %swap3A_382 = tpu.vector_load %arg6[%swap3A_381] {strides = array<i32>} : memref<1024xf32, #tpu.memory_space<vmem>>, vector<16xf32>,
    %swap3A_383 = vector.shape_cast %swap3A_382 : vector<16xf32> to vector<16xf32>
    %swap3A_384 = vector.shape_cast %broadcast_in_dim3A_380 : vector<16xf32> to vector<16xf32>
    tpu.vector_store %arg6[%swap3A_381], %swap3A_384 {strides = array<i32>} : memref<1024xf32, #tpu.memory_space<vmem>>, vector<16xf32>,
    %ge3A = arith.constant 16 : i32
    %ge3A_385 = arith.cmpi sge, %mul3A_2, %ge3A : i32
    %lt3A = arith.constant 97 : i32
    %lt3A_386 = arith.cmpi slt, %mul3A_2, %lt3A : i32
    %and3A = arith.andi %ge3A_385, %lt3A_386 : i1
    %convert_element_type3A = arith.extui %and3A : i1 to i32
    %cond3A = arith.constant 0 : i32
    %cond3A_387 = arith.cmpi ne, %convert_element_type3A, %cond3A : i32
    scf.if %cond3A_387 {
      %mul3A_569 = arith.constant 1024 : i32
      %mul3A_570 = arith.muli %mul3A_2, %mul3A_569 : i32
      %dma_start3A = tpu.memref_slice %arg2[%mul3A_570] : memref<100000xf32, #tpu.memory_space<hbm>> -> memref<1024xf32, #tpu.memory_space<hbm>>
      %dma_start3A_571 = tpu.memref_slice %arg2[%mul3A_570] : memref<100000xf32, #tpu.memory_space<hbm>> -> memref<1024xf32, #tpu.memory_space<hbm>>
      tpu.enqueue_dma source(%dma_start3A_571 : memref<1024xf32, #tpu.memory_space<hbm>>) target(%arg4 : memref<1024xf32, #tpu.memory_space<vmem>>) target_semaphore(%arg7 : memref<!tpu.dma_semaphore, #tpu.memory_space<semaphore_mem>>)
    } else {
    }
    %eq3A = arith.constant 97 : i32
    %eq3A_388 = arith.cmpi eq, %mul3A_2, %eq3A : i32
    %convert_element_type3A_389 = arith.extui %eq3A_388 : i1 to i32
    %cond3A_390 = arith.constant 0 : i32
    %cond3A_391 = arith.cmpi ne, %convert_element_type3A_389, %cond3A_390 : i32
    scf.if %cond3A_391 {
      %mul3A_569 = arith.constant 1024 : i32
      %mul3A_570 = arith.muli %mul3A_2, %mul3A_569 : i32
      %dma_start3A = arith.constant 0 : i32
      %dma_start3A_571 = tpu.memref_slice %arg4[%dma_start3A] : memref<1024xf32, #tpu.memory_space<vmem>> -> memref<672xf32, #tpu.memory_space<vmem>>
      %dma_start3A_572 = tpu.memref_slice %arg2[%mul3A_570] : memref<100000xf32, #tpu.memory_space<hbm>> -> memref<672xf32, #tpu.memory_space<hbm>>
      %dma_start3A_573 = arith.constant 0 : i32
      %dma_start3A_574 = tpu.memref_slice %arg4[%dma_start3A_573] : memref<1024xf32, #tpu.memory_space<vmem>> -> memref<672xf32, #tpu.memory_space<vmem>>
      %dma_start3A_575 = tpu.memref_slice %arg2[%mul3A_570] : memref<100000xf32, #tpu.memory_space<hbm>> -> memref<672xf32, #tpu.memory_space<hbm>>
      tpu.enqueue_dma source(%dma_start3A_575 : memref<672xf32, #tpu.memory_space<hbm>>) target(%dma_start3A_574 : memref<672xf32, #tpu.memory_space<vmem>>) target_semaphore(%arg7 : memref<!tpu.dma_semaphore, #tpu.memory_space<semaphore_mem>>)
    } else {
    }
    %add3A_392 = arith.constant 0 : i32
    %add3A_393 = arith.addi %mul3A_2, %add3A_392 : i32
    %add3A_394 = arith.constant 1 : i32
    %add3A_395 = arith.addi %add3A_393, %add3A_394 : i32
    %ge3A_396 = arith.constant 16 : i32
    %ge3A_397 = arith.cmpi sge, %add3A_395, %ge3A_396 : i32
    %lt3A_398 = arith.constant 97 : i32
    %lt3A_399 = arith.cmpi slt, %add3A_395, %lt3A_398 : i32
    %and3A_400 = arith.andi %ge3A_397, %lt3A_399 : i1
    %convert_element_type3A_401 = arith.extui %and3A_400 : i1 to i32
    %cond3A_402 = arith.constant 0 : i32
    %cond3A_403 = arith.cmpi ne, %convert_element_type3A_401, %cond3A_402 : i32
    scf.if %cond3A_403 {
      %mul3A_569 = arith.constant 1024 : i32
      %mul3A_570 = arith.muli %add3A_395, %mul3A_569 : i32
      %dma_start3A = tpu.memref_slice %arg2[%mul3A_570] : memref<100000xf32, #tpu.memory_space<hbm>> -> memref<1024xf32, #tpu.memory_space<hbm>>
      %dma_start3A_571 = tpu.memref_slice %arg2[%mul3A_570] : memref<100000xf32, #tpu.memory_space<hbm>> -> memref<1024xf32, #tpu.memory_space<hbm>>
      tpu.enqueue_dma source(%dma_start3A_571 : memref<1024xf32, #tpu.memory_space<hbm>>) target(%arg5 : memref<1024xf32, #tpu.memory_space<vmem>>) target_semaphore(%arg8 : memref<!tpu.dma_semaphore, #tpu.memory_space<semaphore_mem>>)
    } else {
    }
    %eq3A_404 = arith.constant 97 : i32
    %eq3A_405 = arith.cmpi eq, %add3A_395, %eq3A_404 : i32
    %convert_element_type3A_406 = arith.extui %eq3A_405 : i1 to i32
    %cond3A_407 = arith.constant 0 : i32
    %cond3A_408 = arith.cmpi ne, %convert_element_type3A_406, %cond3A_407 : i32
    scf.if %cond3A_408 {
      %mul3A_569 = arith.constant 1024 : i32
      %mul3A_570 = arith.muli %add3A_395, %mul3A_569 : i32
      %dma_start3A = arith.constant 0 : i32
      %dma_start3A_571 = tpu.memref_slice %arg5[%dma_start3A] : memref<1024xf32, #tpu.memory_space<vmem>> -> memref<672xf32, #tpu.memory_space<vmem>>
      %dma_start3A_572 = tpu.memref_slice %arg2[%mul3A_570] : memref<100000xf32, #tpu.memory_space<hbm>> -> memref<672xf32, #tpu.memory_space<hbm>>
      %dma_start3A_573 = arith.constant 0 : i32
      %dma_start3A_574 = tpu.memref_slice %arg5[%dma_start3A_573] : memref<1024xf32, #tpu.memory_space<vmem>> -> memref<672xf32, #tpu.memory_space<vmem>>
      %dma_start3A_575 = tpu.memref_slice %arg2[%mul3A_570] : memref<100000xf32, #tpu.memory_space<hbm>> -> memref<672xf32, #tpu.memory_space<hbm>>
      tpu.enqueue_dma source(%dma_start3A_575 : memref<672xf32, #tpu.memory_space<hbm>>) target(%dma_start3A_574 : memref<672xf32, #tpu.memory_space<vmem>>) target_semaphore(%arg8 : memref<!tpu.dma_semaphore, #tpu.memory_space<semaphore_mem>>)
    } else {
    }
    %ge3A_409 = arith.constant 16 : i32
    %ge3A_410 = arith.cmpi sge, %add3A_393, %ge3A_409 : i32
    %lt3A_411 = arith.constant 97 : i32
    %lt3A_412 = arith.cmpi slt, %add3A_393, %lt3A_411 : i32
    %and3A_413 = arith.andi %ge3A_410, %lt3A_412 : i1
    %convert_element_type3A_414 = arith.extui %and3A_413 : i1 to i32
    %cond3A_415 = arith.constant 0 : i32
    %cond3A_416 = arith.cmpi ne, %convert_element_type3A_414, %cond3A_415 : i32
    scf.if %cond3A_416 {
      %dma_wait3A = arith.constant 0 : i32
      %dma_wait3A_569 = tpu.memref_slice %arg2[%dma_wait3A] : memref<100000xf32, #tpu.memory_space<hbm>> -> memref<1024xf32, #tpu.memory_space<hbm>>
      %dma_wait3A_570 = arith.constant 0 : i32
      %dma_wait3A_571 = tpu.memref_slice %arg2[%dma_wait3A_570] : memref<100000xf32, #tpu.memory_space<hbm>> -> memref<1024xf32, #tpu.memory_space<hbm>>
      tpu.wait_dma2 semaphore(%arg7 : memref<!tpu.dma_semaphore, #tpu.memory_space<semaphore_mem>>) src(%dma_wait3A_571 : memref<1024xf32, #tpu.memory_space<hbm>>) dst(%arg4 : memref<1024xf32, #tpu.memory_space<vmem>>)
    } else {
    }
    %eq3A_417 = arith.constant 97 : i32
    %eq3A_418 = arith.cmpi eq, %add3A_393, %eq3A_417 : i32
    %convert_element_type3A_419 = arith.extui %eq3A_418 : i1 to i32
    %cond3A_420 = arith.constant 0 : i32
    %cond3A_421 = arith.cmpi ne, %convert_element_type3A_419, %cond3A_420 : i32
    scf.if %cond3A_421 {
      %dma_wait3A = arith.constant 0 : i32
      %dma_wait3A_569 = tpu.memref_slice %arg4[%dma_wait3A] : memref<1024xf32, #tpu.memory_space<vmem>> -> memref<672xf32, #tpu.memory_space<vmem>>
      %dma_wait3A_570 = arith.constant 0 : i32
      %dma_wait3A_571 = tpu.memref_slice %arg2[%dma_wait3A_570] : memref<100000xf32, #tpu.memory_space<hbm>> -> memref<672xf32, #tpu.memory_space<hbm>>
      %dma_wait3A_572 = arith.constant 0 : i32
      %dma_wait3A_573 = tpu.memref_slice %arg4[%dma_wait3A_572] : memref<1024xf32, #tpu.memory_space<vmem>> -> memref<672xf32, #tpu.memory_space<vmem>>
      %dma_wait3A_574 = arith.constant 0 : i32
      %dma_wait3A_575 = tpu.memref_slice %arg2[%dma_wait3A_574] : memref<100000xf32, #tpu.memory_space<hbm>> -> memref<672xf32, #tpu.memory_space<hbm>>
      tpu.wait_dma2 semaphore(%arg7 : memref<!tpu.dma_semaphore, #tpu.memory_space<semaphore_mem>>) src(%dma_wait3A_575 : memref<672xf32, #tpu.memory_space<hbm>>) dst(%dma_wait3A_573 : memref<672xf32, #tpu.memory_space<vmem>>)
    } else {
    }
    %lt3A_422 = arith.constant 16 : i32
    %lt3A_423 = arith.cmpi slt, %add3A_393, %lt3A_422 : i32
    %convert_element_type3A_424 = arith.extui %lt3A_423 : i1 to i32
    %cond3A_425 = arith.constant 0 : i32
    %cond3A_426 = arith.cmpi ne, %convert_element_type3A_424, %cond3A_425 : i32
    scf.if %cond3A_426 {
      %mul3A_569 = arith.constant 1024 : i32
      %mul3A_570 = arith.muli %add3A_393, %mul3A_569 : i32
      "tpu.region"() ({
        %run_scoped3A = tpu.sem_alloc : memref<!tpu.dma_semaphore, #tpu.memory_space<semaphore_mem>>
        %dma_start3A = tpu.memref_slice %arg3[%mul3A_570] : memref<100000xf32, #tpu.memory_space<hbm>> -> memref<1024xf32, #tpu.memory_space<hbm>>
        %dma_start3A_571 = tpu.memref_slice %arg3[%mul3A_570] : memref<100000xf32, #tpu.memory_space<hbm>> -> memref<1024xf32, #tpu.memory_space<hbm>>
        tpu.enqueue_dma source(%arg6 : memref<1024xf32, #tpu.memory_space<vmem>>) target(%dma_start3A_571 : memref<1024xf32, #tpu.memory_space<hbm>>) target_semaphore(%run_scoped3A : memref<!tpu.dma_semaphore, #tpu.memory_space<semaphore_mem>>)
        %dma_wait3A = tpu.memref_slice %arg3[%mul3A_570] : memref<100000xf32, #tpu.memory_space<hbm>> -> memref<1024xf32, #tpu.memory_space<hbm>>
        %dma_wait3A_572 = tpu.memref_slice %arg3[%mul3A_570] : memref<100000xf32, #tpu.memory_space<hbm>> -> memref<1024xf32, #tpu.memory_space<hbm>>
        tpu.wait_dma2 semaphore(%run_scoped3A : memref<!tpu.dma_semaphore, #tpu.memory_space<semaphore_mem>>) src(%arg6 : memref<1024xf32, #tpu.memory_space<vmem>>) dst(%dma_wait3A_572 : memref<1024xf32, #tpu.memory_space<hbm>>)
        tpu.yield
      }) : () -> ()
    } else {
    }
    %ge3A_427 = arith.constant 16 : i32
    %ge3A_428 = arith.cmpi sge, %add3A_393, %ge3A_427 : i32
    %lt3A_429 = arith.constant 97 : i32
    %lt3A_430 = arith.cmpi slt, %add3A_393, %lt3A_429 : i32
    %and3A_431 = arith.andi %ge3A_428, %lt3A_430 : i1
    %convert_element_type3A_432 = arith.extui %and3A_431 : i1 to i32
    %cond3A_433 = arith.constant 0 : i32
    %cond3A_434 = arith.cmpi ne, %convert_element_type3A_432, %cond3A_433 : i32
    scf.if %cond3A_434 {
      %mul3A_569 = arith.constant 1024 : i32
      %mul3A_570 = arith.muli %add3A_393, %mul3A_569 : i32
      "tpu.region"() ({
        %run_scoped3A = tpu.sem_alloc : memref<!tpu.dma_semaphore, #tpu.memory_space<semaphore_mem>>
        %dma_start3A = tpu.memref_slice %arg3[%mul3A_570] : memref<100000xf32, #tpu.memory_space<hbm>> -> memref<1024xf32, #tpu.memory_space<hbm>>
        %dma_start3A_571 = tpu.memref_slice %arg3[%mul3A_570] : memref<100000xf32, #tpu.memory_space<hbm>> -> memref<1024xf32, #tpu.memory_space<hbm>>
        tpu.enqueue_dma source(%arg4 : memref<1024xf32, #tpu.memory_space<vmem>>) target(%dma_start3A_571 : memref<1024xf32, #tpu.memory_space<hbm>>) target_semaphore(%run_scoped3A : memref<!tpu.dma_semaphore, #tpu.memory_space<semaphore_mem>>)
        %dma_wait3A = tpu.memref_slice %arg3[%mul3A_570] : memref<100000xf32, #tpu.memory_space<hbm>> -> memref<1024xf32, #tpu.memory_space<hbm>>
        %dma_wait3A_572 = tpu.memref_slice %arg3[%mul3A_570] : memref<100000xf32, #tpu.memory_space<hbm>> -> memref<1024xf32, #tpu.memory_space<hbm>>
        tpu.wait_dma2 semaphore(%run_scoped3A : memref<!tpu.dma_semaphore, #tpu.memory_space<semaphore_mem>>) src(%arg4 : memref<1024xf32, #tpu.memory_space<vmem>>) dst(%dma_wait3A_572 : memref<1024xf32, #tpu.memory_space<hbm>>)
        tpu.yield
      }) : () -> ()
    } else {
    }
    %eq3A_435 = arith.constant 97 : i32
    %eq3A_436 = arith.cmpi eq, %add3A_393, %eq3A_435 : i32
    %convert_element_type3A_437 = arith.extui %eq3A_436 : i1 to i32
    %cond3A_438 = arith.constant 0 : i32
    %cond3A_439 = arith.cmpi ne, %convert_element_type3A_437, %cond3A_438 : i32
    scf.if %cond3A_439 {
      %mul3A_569 = arith.constant 1024 : i32
      %mul3A_570 = arith.muli %add3A_393, %mul3A_569 : i32
      "tpu.region"() ({
        %run_scoped3A = tpu.sem_alloc : memref<!tpu.dma_semaphore, #tpu.memory_space<semaphore_mem>>
        %dma_start3A = arith.constant 0 : i32
        %dma_start3A_571 = tpu.memref_slice %arg4[%dma_start3A] : memref<1024xf32, #tpu.memory_space<vmem>> -> memref<672xf32, #tpu.memory_space<vmem>>
        %dma_start3A_572 = tpu.memref_slice %arg3[%mul3A_570] : memref<100000xf32, #tpu.memory_space<hbm>> -> memref<672xf32, #tpu.memory_space<hbm>>
        %dma_start3A_573 = tpu.memref_slice %arg3[%mul3A_570] : memref<100000xf32, #tpu.memory_space<hbm>> -> memref<672xf32, #tpu.memory_space<hbm>>
        %dma_start3A_574 = arith.constant 0 : i32
        %dma_start3A_575 = tpu.memref_slice %arg4[%dma_start3A_574] : memref<1024xf32, #tpu.memory_space<vmem>> -> memref<672xf32, #tpu.memory_space<vmem>>
        tpu.enqueue_dma source(%dma_start3A_575 : memref<672xf32, #tpu.memory_space<vmem>>) target(%dma_start3A_573 : memref<672xf32, #tpu.memory_space<hbm>>) target_semaphore(%run_scoped3A : memref<!tpu.dma_semaphore, #tpu.memory_space<semaphore_mem>>)
        %dma_wait3A = arith.constant 0 : i32
        %dma_wait3A_576 = tpu.memref_slice %arg4[%dma_wait3A] : memref<1024xf32, #tpu.memory_space<vmem>> -> memref<672xf32, #tpu.memory_space<vmem>>
        %dma_wait3A_577 = tpu.memref_slice %arg3[%mul3A_570] : memref<100000xf32, #tpu.memory_space<hbm>> -> memref<672xf32, #tpu.memory_space<hbm>>
        %dma_wait3A_578 = tpu.memref_slice %arg3[%mul3A_570] : memref<100000xf32, #tpu.memory_space<hbm>> -> memref<672xf32, #tpu.memory_space<hbm>>
        %dma_wait3A_579 = arith.constant 0 : i32
        %dma_wait3A_580 = tpu.memref_slice %arg4[%dma_wait3A_579] : memref<1024xf32, #tpu.memory_space<vmem>> -> memref<672xf32, #tpu.memory_space<vmem>>
        tpu.wait_dma2 semaphore(%run_scoped3A : memref<!tpu.dma_semaphore, #tpu.memory_space<semaphore_mem>>) src(%dma_wait3A_580 : memref<672xf32, #tpu.memory_space<vmem>>) dst(%dma_wait3A_578 : memref<672xf32, #tpu.memory_space<hbm>>)
        tpu.yield
      }) : () -> ()
    } else {
    }
    %add3A_440 = arith.constant 1 : i32
    %add3A_441 = arith.addi %mul3A_2, %add3A_440 : i32
    %add3A_442 = arith.constant 1 : i32
    %add3A_443 = arith.addi %add3A_441, %add3A_442 : i32
    %ge3A_444 = arith.constant 16 : i32
    %ge3A_445 = arith.cmpi sge, %add3A_443, %ge3A_444 : i32
    %lt3A_446 = arith.constant 97 : i32
    %lt3A_447 = arith.cmpi slt, %add3A_443, %lt3A_446 : i32
    %and3A_448 = arith.andi %ge3A_445, %lt3A_447 : i1
    %convert_element_type3A_449 = arith.extui %and3A_448 : i1 to i32
    %cond3A_450 = arith.constant 0 : i32
    %cond3A_451 = arith.cmpi ne, %convert_element_type3A_449, %cond3A_450 : i32
    scf.if %cond3A_451 {
      %mul3A_569 = arith.constant 1024 : i32
      %mul3A_570 = arith.muli %add3A_443, %mul3A_569 : i32
      %dma_start3A = tpu.memref_slice %arg2[%mul3A_570] : memref<100000xf32, #tpu.memory_space<hbm>> -> memref<1024xf32, #tpu.memory_space<hbm>>
      %dma_start3A_571 = tpu.memref_slice %arg2[%mul3A_570] : memref<100000xf32, #tpu.memory_space<hbm>> -> memref<1024xf32, #tpu.memory_space<hbm>>
      tpu.enqueue_dma source(%dma_start3A_571 : memref<1024xf32, #tpu.memory_space<hbm>>) target(%arg4 : memref<1024xf32, #tpu.memory_space<vmem>>) target_semaphore(%arg7 : memref<!tpu.dma_semaphore, #tpu.memory_space<semaphore_mem>>)
    } else {
    }
    %eq3A_452 = arith.constant 97 : i32
    %eq3A_453 = arith.cmpi eq, %add3A_443, %eq3A_452 : i32
    %convert_element_type3A_454 = arith.extui %eq3A_453 : i1 to i32
    %cond3A_455 = arith.constant 0 : i32
    %cond3A_456 = arith.cmpi ne, %convert_element_type3A_454, %cond3A_455 : i32
    scf.if %cond3A_456 {
      %mul3A_569 = arith.constant 1024 : i32
      %mul3A_570 = arith.muli %add3A_443, %mul3A_569 : i32
      %dma_start3A = arith.constant 0 : i32
      %dma_start3A_571 = tpu.memref_slice %arg4[%dma_start3A] : memref<1024xf32, #tpu.memory_space<vmem>> -> memref<672xf32, #tpu.memory_space<vmem>>
      %dma_start3A_572 = tpu.memref_slice %arg2[%mul3A_570] : memref<100000xf32, #tpu.memory_space<hbm>> -> memref<672xf32, #tpu.memory_space<hbm>>
      %dma_start3A_573 = arith.constant 0 : i32
      %dma_start3A_574 = tpu.memref_slice %arg4[%dma_start3A_573] : memref<1024xf32, #tpu.memory_space<vmem>> -> memref<672xf32, #tpu.memory_space<vmem>>
      %dma_start3A_575 = tpu.memref_slice %arg2[%mul3A_570] : memref<100000xf32, #tpu.memory_space<hbm>> -> memref<672xf32, #tpu.memory_space<hbm>>
      tpu.enqueue_dma source(%dma_start3A_575 : memref<672xf32, #tpu.memory_space<hbm>>) target(%dma_start3A_574 : memref<672xf32, #tpu.memory_space<vmem>>) target_semaphore(%arg7 : memref<!tpu.dma_semaphore, #tpu.memory_space<semaphore_mem>>)
    } else {
    }
    %ge3A_457 = arith.constant 16 : i32
    %ge3A_458 = arith.cmpi sge, %add3A_441, %ge3A_457 : i32
    %lt3A_459 = arith.constant 97 : i32
    %lt3A_460 = arith.cmpi slt, %add3A_441, %lt3A_459 : i32
    %and3A_461 = arith.andi %ge3A_458, %lt3A_460 : i1
    %convert_element_type3A_462 = arith.extui %and3A_461 : i1 to i32
    %cond3A_463 = arith.constant 0 : i32
    %cond3A_464 = arith.cmpi ne, %convert_element_type3A_462, %cond3A_463 : i32
    scf.if %cond3A_464 {
      %dma_wait3A = arith.constant 0 : i32
      %dma_wait3A_569 = tpu.memref_slice %arg2[%dma_wait3A] : memref<100000xf32, #tpu.memory_space<hbm>> -> memref<1024xf32, #tpu.memory_space<hbm>>
      %dma_wait3A_570 = arith.constant 0 : i32
      %dma_wait3A_571 = tpu.memref_slice %arg2[%dma_wait3A_570] : memref<100000xf32, #tpu.memory_space<hbm>> -> memref<1024xf32, #tpu.memory_space<hbm>>
      tpu.wait_dma2 semaphore(%arg8 : memref<!tpu.dma_semaphore, #tpu.memory_space<semaphore_mem>>) src(%dma_wait3A_571 : memref<1024xf32, #tpu.memory_space<hbm>>) dst(%arg5 : memref<1024xf32, #tpu.memory_space<vmem>>)
    } else {
    }
    %eq3A_465 = arith.constant 97 : i32
    %eq3A_466 = arith.cmpi eq, %add3A_441, %eq3A_465 : i32
    %convert_element_type3A_467 = arith.extui %eq3A_466 : i1 to i32
    %cond3A_468 = arith.constant 0 : i32
    %cond3A_469 = arith.cmpi ne, %convert_element_type3A_467, %cond3A_468 : i32
    scf.if %cond3A_469 {
      %dma_wait3A = arith.constant 0 : i32
      %dma_wait3A_569 = tpu.memref_slice %arg5[%dma_wait3A] : memref<1024xf32, #tpu.memory_space<vmem>> -> memref<672xf32, #tpu.memory_space<vmem>>
      %dma_wait3A_570 = arith.constant 0 : i32
      %dma_wait3A_571 = tpu.memref_slice %arg2[%dma_wait3A_570] : memref<100000xf32, #tpu.memory_space<hbm>> -> memref<672xf32, #tpu.memory_space<hbm>>
      %dma_wait3A_572 = arith.constant 0 : i32
      %dma_wait3A_573 = tpu.memref_slice %arg5[%dma_wait3A_572] : memref<1024xf32, #tpu.memory_space<vmem>> -> memref<672xf32, #tpu.memory_space<vmem>>
      %dma_wait3A_574 = arith.constant 0 : i32
      %dma_wait3A_575 = tpu.memref_slice %arg2[%dma_wait3A_574] : memref<100000xf32, #tpu.memory_space<hbm>> -> memref<672xf32, #tpu.memory_space<hbm>>
      tpu.wait_dma2 semaphore(%arg8 : memref<!tpu.dma_semaphore, #tpu.memory_space<semaphore_mem>>) src(%dma_wait3A_575 : memref<672xf32, #tpu.memory_space<hbm>>) dst(%dma_wait3A_573 : memref<672xf32, #tpu.memory_space<vmem>>)
    } else {
    }
    %lt3A_470 = arith.constant 16 : i32
    %lt3A_471 = arith.cmpi slt, %add3A_441, %lt3A_470 : i32
    %convert_element_type3A_472 = arith.extui %lt3A_471 : i1 to i32
    %cond3A_473 = arith.constant 0 : i32
    %cond3A_474 = arith.cmpi ne, %convert_element_type3A_472, %cond3A_473 : i32
    scf.if %cond3A_474 {
      %mul3A_569 = arith.constant 1024 : i32
      %mul3A_570 = arith.muli %add3A_441, %mul3A_569 : i32
      "tpu.region"() ({
        %run_scoped3A = tpu.sem_alloc : memref<!tpu.dma_semaphore, #tpu.memory_space<semaphore_mem>>
        %dma_start3A = tpu.memref_slice %arg3[%mul3A_570] : memref<100000xf32, #tpu.memory_space<hbm>> -> memref<1024xf32, #tpu.memory_space<hbm>>
        %dma_start3A_571 = tpu.memref_slice %arg3[%mul3A_570] : memref<100000xf32, #tpu.memory_space<hbm>> -> memref<1024xf32, #tpu.memory_space<hbm>>
        tpu.enqueue_dma source(%arg6 : memref<1024xf32, #tpu.memory_space<vmem>>) target(%dma_start3A_571 : memref<1024xf32, #tpu.memory_space<hbm>>) target_semaphore(%run_scoped3A : memref<!tpu.dma_semaphore, #tpu.memory_space<semaphore_mem>>)
        %dma_wait3A = tpu.memref_slice %arg3[%mul3A_570] : memref<100000xf32, #tpu.memory_space<hbm>> -> memref<1024xf32, #tpu.memory_space<hbm>>
        %dma_wait3A_572 = tpu.memref_slice %arg3[%mul3A_570] : memref<100000xf32, #tpu.memory_space<hbm>> -> memref<1024xf32, #tpu.memory_space<hbm>>
        tpu.wait_dma2 semaphore(%run_scoped3A : memref<!tpu.dma_semaphore, #tpu.memory_space<semaphore_mem>>) src(%arg6 : memref<1024xf32, #tpu.memory_space<vmem>>) dst(%dma_wait3A_572 : memref<1024xf32, #tpu.memory_space<hbm>>)
        tpu.yield
      }) : () -> ()
    } else {
    }
    %ge3A_475 = arith.constant 16 : i32
    %ge3A_476 = arith.cmpi sge, %add3A_441, %ge3A_475 : i32
    %lt3A_477 = arith.constant 97 : i32
    %lt3A_478 = arith.cmpi slt, %add3A_441, %lt3A_477 : i32
    %and3A_479 = arith.andi %ge3A_476, %lt3A_478 : i1
    %convert_element_type3A_480 = arith.extui %and3A_479 : i1 to i32
    %cond3A_481 = arith.constant 0 : i32
    %cond3A_482 = arith.cmpi ne, %convert_element_type3A_480, %cond3A_481 : i32
    scf.if %cond3A_482 {
      %mul3A_569 = arith.constant 1024 : i32
      %mul3A_570 = arith.muli %add3A_441, %mul3A_569 : i32
      "tpu.region"() ({
        %run_scoped3A = tpu.sem_alloc : memref<!tpu.dma_semaphore, #tpu.memory_space<semaphore_mem>>
        %dma_start3A = tpu.memref_slice %arg3[%mul3A_570] : memref<100000xf32, #tpu.memory_space<hbm>> -> memref<1024xf32, #tpu.memory_space<hbm>>
        %dma_start3A_571 = tpu.memref_slice %arg3[%mul3A_570] : memref<100000xf32, #tpu.memory_space<hbm>> -> memref<1024xf32, #tpu.memory_space<hbm>>
        tpu.enqueue_dma source(%arg5 : memref<1024xf32, #tpu.memory_space<vmem>>) target(%dma_start3A_571 : memref<1024xf32, #tpu.memory_space<hbm>>) target_semaphore(%run_scoped3A : memref<!tpu.dma_semaphore, #tpu.memory_space<semaphore_mem>>)
        %dma_wait3A = tpu.memref_slice %arg3[%mul3A_570] : memref<100000xf32, #tpu.memory_space<hbm>> -> memref<1024xf32, #tpu.memory_space<hbm>>
        %dma_wait3A_572 = tpu.memref_slice %arg3[%mul3A_570] : memref<100000xf32, #tpu.memory_space<hbm>> -> memref<1024xf32, #tpu.memory_space<hbm>>
        tpu.wait_dma2 semaphore(%run_scoped3A : memref<!tpu.dma_semaphore, #tpu.memory_space<semaphore_mem>>) src(%arg5 : memref<1024xf32, #tpu.memory_space<vmem>>) dst(%dma_wait3A_572 : memref<1024xf32, #tpu.memory_space<hbm>>)
        tpu.yield
      }) : () -> ()
    } else {
    }
    %eq3A_483 = arith.constant 97 : i32
    %eq3A_484 = arith.cmpi eq, %add3A_441, %eq3A_483 : i32
    %convert_element_type3A_485 = arith.extui %eq3A_484 : i1 to i32
    %cond3A_486 = arith.constant 0 : i32
    %cond3A_487 = arith.cmpi ne, %convert_element_type3A_485, %cond3A_486 : i32
    scf.if %cond3A_487 {
      %mul3A_569 = arith.constant 1024 : i32
      %mul3A_570 = arith.muli %add3A_441, %mul3A_569 : i32
      "tpu.region"() ({
        %run_scoped3A = tpu.sem_alloc : memref<!tpu.dma_semaphore, #tpu.memory_space<semaphore_mem>>
        %dma_start3A = arith.constant 0 : i32
        %dma_start3A_571 = tpu.memref_slice %arg5[%dma_start3A] : memref<1024xf32, #tpu.memory_space<vmem>> -> memref<672xf32, #tpu.memory_space<vmem>>
        %dma_start3A_572 = tpu.memref_slice %arg3[%mul3A_570] : memref<100000xf32, #tpu.memory_space<hbm>> -> memref<672xf32, #tpu.memory_space<hbm>>
        %dma_start3A_573 = tpu.memref_slice %arg3[%mul3A_570] : memref<100000xf32, #tpu.memory_space<hbm>> -> memref<672xf32, #tpu.memory_space<hbm>>
        %dma_start3A_574 = arith.constant 0 : i32
        %dma_start3A_575 = tpu.memref_slice %arg5[%dma_start3A_574] : memref<1024xf32, #tpu.memory_space<vmem>> -> memref<672xf32, #tpu.memory_space<vmem>>
        tpu.enqueue_dma source(%dma_start3A_575 : memref<672xf32, #tpu.memory_space<vmem>>) target(%dma_start3A_573 : memref<672xf32, #tpu.memory_space<hbm>>) target_semaphore(%run_scoped3A : memref<!tpu.dma_semaphore, #tpu.memory_space<semaphore_mem>>)
        %dma_wait3A = arith.constant 0 : i32
        %dma_wait3A_576 = tpu.memref_slice %arg5[%dma_wait3A] : memref<1024xf32, #tpu.memory_space<vmem>> -> memref<672xf32, #tpu.memory_space<vmem>>
        %dma_wait3A_577 = tpu.memref_slice %arg3[%mul3A_570] : memref<100000xf32, #tpu.memory_space<hbm>> -> memref<672xf32, #tpu.memory_space<hbm>>
        %dma_wait3A_578 = tpu.memref_slice %arg3[%mul3A_570] : memref<100000xf32, #tpu.memory_space<hbm>> -> memref<672xf32, #tpu.memory_space<hbm>>
        %dma_wait3A_579 = arith.constant 0 : i32
        %dma_wait3A_580 = tpu.memref_slice %arg5[%dma_wait3A_579] : memref<1024xf32, #tpu.memory_space<vmem>> -> memref<672xf32, #tpu.memory_space<vmem>>
        tpu.wait_dma2 semaphore(%run_scoped3A : memref<!tpu.dma_semaphore, #tpu.memory_space<semaphore_mem>>) src(%dma_wait3A_580 : memref<672xf32, #tpu.memory_space<vmem>>) dst(%dma_wait3A_578 : memref<672xf32, #tpu.memory_space<hbm>>)
        tpu.yield
      }) : () -> ()
    } else {
    }
    %add3A_488 = arith.constant 2 : i32
    %add3A_489 = arith.addi %mul3A_2, %add3A_488 : i32
    %add3A_490 = arith.constant 1 : i32
    %add3A_491 = arith.addi %add3A_489, %add3A_490 : i32
    %ge3A_492 = arith.constant 16 : i32
    %ge3A_493 = arith.cmpi sge, %add3A_491, %ge3A_492 : i32
    %lt3A_494 = arith.constant 97 : i32
    %lt3A_495 = arith.cmpi slt, %add3A_491, %lt3A_494 : i32
    %and3A_496 = arith.andi %ge3A_493, %lt3A_495 : i1
    %convert_element_type3A_497 = arith.extui %and3A_496 : i1 to i32
    %cond3A_498 = arith.constant 0 : i32
    %cond3A_499 = arith.cmpi ne, %convert_element_type3A_497, %cond3A_498 : i32
    scf.if %cond3A_499 {
      %mul3A_569 = arith.constant 1024 : i32
      %mul3A_570 = arith.muli %add3A_491, %mul3A_569 : i32
      %dma_start3A = tpu.memref_slice %arg2[%mul3A_570] : memref<100000xf32, #tpu.memory_space<hbm>> -> memref<1024xf32, #tpu.memory_space<hbm>>
      %dma_start3A_571 = tpu.memref_slice %arg2[%mul3A_570] : memref<100000xf32, #tpu.memory_space<hbm>> -> memref<1024xf32, #tpu.memory_space<hbm>>
      tpu.enqueue_dma source(%dma_start3A_571 : memref<1024xf32, #tpu.memory_space<hbm>>) target(%arg5 : memref<1024xf32, #tpu.memory_space<vmem>>) target_semaphore(%arg8 : memref<!tpu.dma_semaphore, #tpu.memory_space<semaphore_mem>>)
    } else {
    }
    %eq3A_500 = arith.constant 97 : i32
    %eq3A_501 = arith.cmpi eq, %add3A_491, %eq3A_500 : i32
    %convert_element_type3A_502 = arith.extui %eq3A_501 : i1 to i32
    %cond3A_503 = arith.constant 0 : i32
    %cond3A_504 = arith.cmpi ne, %convert_element_type3A_502, %cond3A_503 : i32
    scf.if %cond3A_504 {
      %mul3A_569 = arith.constant 1024 : i32
      %mul3A_570 = arith.muli %add3A_491, %mul3A_569 : i32
      %dma_start3A = arith.constant 0 : i32
      %dma_start3A_571 = tpu.memref_slice %arg5[%dma_start3A] : memref<1024xf32, #tpu.memory_space<vmem>> -> memref<672xf32, #tpu.memory_space<vmem>>
      %dma_start3A_572 = tpu.memref_slice %arg2[%mul3A_570] : memref<100000xf32, #tpu.memory_space<hbm>> -> memref<672xf32, #tpu.memory_space<hbm>>
      %dma_start3A_573 = arith.constant 0 : i32
      %dma_start3A_574 = tpu.memref_slice %arg5[%dma_start3A_573] : memref<1024xf32, #tpu.memory_space<vmem>> -> memref<672xf32, #tpu.memory_space<vmem>>
      %dma_start3A_575 = tpu.memref_slice %arg2[%mul3A_570] : memref<100000xf32, #tpu.memory_space<hbm>> -> memref<672xf32, #tpu.memory_space<hbm>>
      tpu.enqueue_dma source(%dma_start3A_575 : memref<672xf32, #tpu.memory_space<hbm>>) target(%dma_start3A_574 : memref<672xf32, #tpu.memory_space<vmem>>) target_semaphore(%arg8 : memref<!tpu.dma_semaphore, #tpu.memory_space<semaphore_mem>>)
    } else {
    }
    %ge3A_505 = arith.constant 16 : i32
    %ge3A_506 = arith.cmpi sge, %add3A_489, %ge3A_505 : i32
    %lt3A_507 = arith.constant 97 : i32
    %lt3A_508 = arith.cmpi slt, %add3A_489, %lt3A_507 : i32
    %and3A_509 = arith.andi %ge3A_506, %lt3A_508 : i1
    %convert_element_type3A_510 = arith.extui %and3A_509 : i1 to i32
    %cond3A_511 = arith.constant 0 : i32
    %cond3A_512 = arith.cmpi ne, %convert_element_type3A_510, %cond3A_511 : i32
    scf.if %cond3A_512 {
      %dma_wait3A = arith.constant 0 : i32
      %dma_wait3A_569 = tpu.memref_slice %arg2[%dma_wait3A] : memref<100000xf32, #tpu.memory_space<hbm>> -> memref<1024xf32, #tpu.memory_space<hbm>>
      %dma_wait3A_570 = arith.constant 0 : i32
      %dma_wait3A_571 = tpu.memref_slice %arg2[%dma_wait3A_570] : memref<100000xf32, #tpu.memory_space<hbm>> -> memref<1024xf32, #tpu.memory_space<hbm>>
      tpu.wait_dma2 semaphore(%arg7 : memref<!tpu.dma_semaphore, #tpu.memory_space<semaphore_mem>>) src(%dma_wait3A_571 : memref<1024xf32, #tpu.memory_space<hbm>>) dst(%arg4 : memref<1024xf32, #tpu.memory_space<vmem>>)
    } else {
    }
    %eq3A_513 = arith.constant 97 : i32
    %eq3A_514 = arith.cmpi eq, %add3A_489, %eq3A_513 : i32
    %convert_element_type3A_515 = arith.extui %eq3A_514 : i1 to i32
    %cond3A_516 = arith.constant 0 : i32
    %cond3A_517 = arith.cmpi ne, %convert_element_type3A_515, %cond3A_516 : i32
    scf.if %cond3A_517 {
      %dma_wait3A = arith.constant 0 : i32
      %dma_wait3A_569 = tpu.memref_slice %arg4[%dma_wait3A] : memref<1024xf32, #tpu.memory_space<vmem>> -> memref<672xf32, #tpu.memory_space<vmem>>
      %dma_wait3A_570 = arith.constant 0 : i32
      %dma_wait3A_571 = tpu.memref_slice %arg2[%dma_wait3A_570] : memref<100000xf32, #tpu.memory_space<hbm>> -> memref<672xf32, #tpu.memory_space<hbm>>
      %dma_wait3A_572 = arith.constant 0 : i32
      %dma_wait3A_573 = tpu.memref_slice %arg4[%dma_wait3A_572] : memref<1024xf32, #tpu.memory_space<vmem>> -> memref<672xf32, #tpu.memory_space<vmem>>
      %dma_wait3A_574 = arith.constant 0 : i32
      %dma_wait3A_575 = tpu.memref_slice %arg2[%dma_wait3A_574] : memref<100000xf32, #tpu.memory_space<hbm>> -> memref<672xf32, #tpu.memory_space<hbm>>
      tpu.wait_dma2 semaphore(%arg7 : memref<!tpu.dma_semaphore, #tpu.memory_space<semaphore_mem>>) src(%dma_wait3A_575 : memref<672xf32, #tpu.memory_space<hbm>>) dst(%dma_wait3A_573 : memref<672xf32, #tpu.memory_space<vmem>>)
    } else {
    }
    %lt3A_518 = arith.constant 16 : i32
    %lt3A_519 = arith.cmpi slt, %add3A_489, %lt3A_518 : i32
    %convert_element_type3A_520 = arith.extui %lt3A_519 : i1 to i32
    %cond3A_521 = arith.constant 0 : i32
    %cond3A_522 = arith.cmpi ne, %convert_element_type3A_520, %cond3A_521 : i32
    scf.if %cond3A_522 {
      %mul3A_569 = arith.constant 1024 : i32
      %mul3A_570 = arith.muli %add3A_489, %mul3A_569 : i32
      "tpu.region"() ({
        %run_scoped3A = tpu.sem_alloc : memref<!tpu.dma_semaphore, #tpu.memory_space<semaphore_mem>>
        %dma_start3A = tpu.memref_slice %arg3[%mul3A_570] : memref<100000xf32, #tpu.memory_space<hbm>> -> memref<1024xf32, #tpu.memory_space<hbm>>
        %dma_start3A_571 = tpu.memref_slice %arg3[%mul3A_570] : memref<100000xf32, #tpu.memory_space<hbm>> -> memref<1024xf32, #tpu.memory_space<hbm>>
        tpu.enqueue_dma source(%arg6 : memref<1024xf32, #tpu.memory_space<vmem>>) target(%dma_start3A_571 : memref<1024xf32, #tpu.memory_space<hbm>>) target_semaphore(%run_scoped3A : memref<!tpu.dma_semaphore, #tpu.memory_space<semaphore_mem>>)
        %dma_wait3A = tpu.memref_slice %arg3[%mul3A_570] : memref<100000xf32, #tpu.memory_space<hbm>> -> memref<1024xf32, #tpu.memory_space<hbm>>
        %dma_wait3A_572 = tpu.memref_slice %arg3[%mul3A_570] : memref<100000xf32, #tpu.memory_space<hbm>> -> memref<1024xf32, #tpu.memory_space<hbm>>
        tpu.wait_dma2 semaphore(%run_scoped3A : memref<!tpu.dma_semaphore, #tpu.memory_space<semaphore_mem>>) src(%arg6 : memref<1024xf32, #tpu.memory_space<vmem>>) dst(%dma_wait3A_572 : memref<1024xf32, #tpu.memory_space<hbm>>)
        tpu.yield
      }) : () -> ()
    } else {
    }
    %ge3A_523 = arith.constant 16 : i32
    %ge3A_524 = arith.cmpi sge, %add3A_489, %ge3A_523 : i32
    %lt3A_525 = arith.constant 97 : i32
    %lt3A_526 = arith.cmpi slt, %add3A_489, %lt3A_525 : i32
    %and3A_527 = arith.andi %ge3A_524, %lt3A_526 : i1
    %convert_element_type3A_528 = arith.extui %and3A_527 : i1 to i32
    %cond3A_529 = arith.constant 0 : i32
    %cond3A_530 = arith.cmpi ne, %convert_element_type3A_528, %cond3A_529 : i32
    scf.if %cond3A_530 {
      %mul3A_569 = arith.constant 1024 : i32
      %mul3A_570 = arith.muli %add3A_489, %mul3A_569 : i32
      "tpu.region"() ({
        %run_scoped3A = tpu.sem_alloc : memref<!tpu.dma_semaphore, #tpu.memory_space<semaphore_mem>>
        %dma_start3A = tpu.memref_slice %arg3[%mul3A_570] : memref<100000xf32, #tpu.memory_space<hbm>> -> memref<1024xf32, #tpu.memory_space<hbm>>
        %dma_start3A_571 = tpu.memref_slice %arg3[%mul3A_570] : memref<100000xf32, #tpu.memory_space<hbm>> -> memref<1024xf32, #tpu.memory_space<hbm>>
        tpu.enqueue_dma source(%arg4 : memref<1024xf32, #tpu.memory_space<vmem>>) target(%dma_start3A_571 : memref<1024xf32, #tpu.memory_space<hbm>>) target_semaphore(%run_scoped3A : memref<!tpu.dma_semaphore, #tpu.memory_space<semaphore_mem>>)
        %dma_wait3A = tpu.memref_slice %arg3[%mul3A_570] : memref<100000xf32, #tpu.memory_space<hbm>> -> memref<1024xf32, #tpu.memory_space<hbm>>
        %dma_wait3A_572 = tpu.memref_slice %arg3[%mul3A_570] : memref<100000xf32, #tpu.memory_space<hbm>> -> memref<1024xf32, #tpu.memory_space<hbm>>
        tpu.wait_dma2 semaphore(%run_scoped3A : memref<!tpu.dma_semaphore, #tpu.memory_space<semaphore_mem>>) src(%arg4 : memref<1024xf32, #tpu.memory_space<vmem>>) dst(%dma_wait3A_572 : memref<1024xf32, #tpu.memory_space<hbm>>)
        tpu.yield
      }) : () -> ()
    } else {
    }
    %eq3A_531 = arith.constant 97 : i32
    %eq3A_532 = arith.cmpi eq, %add3A_489, %eq3A_531 : i32
    %convert_element_type3A_533 = arith.extui %eq3A_532 : i1 to i32
    %cond3A_534 = arith.constant 0 : i32
    %cond3A_535 = arith.cmpi ne, %convert_element_type3A_533, %cond3A_534 : i32
    scf.if %cond3A_535 {
      %mul3A_569 = arith.constant 1024 : i32
      %mul3A_570 = arith.muli %add3A_489, %mul3A_569 : i32
      "tpu.region"() ({
        %run_scoped3A = tpu.sem_alloc : memref<!tpu.dma_semaphore, #tpu.memory_space<semaphore_mem>>
        %dma_start3A = arith.constant 0 : i32
        %dma_start3A_571 = tpu.memref_slice %arg4[%dma_start3A] : memref<1024xf32, #tpu.memory_space<vmem>> -> memref<672xf32, #tpu.memory_space<vmem>>
        %dma_start3A_572 = tpu.memref_slice %arg3[%mul3A_570] : memref<100000xf32, #tpu.memory_space<hbm>> -> memref<672xf32, #tpu.memory_space<hbm>>
        %dma_start3A_573 = tpu.memref_slice %arg3[%mul3A_570] : memref<100000xf32, #tpu.memory_space<hbm>> -> memref<672xf32, #tpu.memory_space<hbm>>
        %dma_start3A_574 = arith.constant 0 : i32
        %dma_start3A_575 = tpu.memref_slice %arg4[%dma_start3A_574] : memref<1024xf32, #tpu.memory_space<vmem>> -> memref<672xf32, #tpu.memory_space<vmem>>
        tpu.enqueue_dma source(%dma_start3A_575 : memref<672xf32, #tpu.memory_space<vmem>>) target(%dma_start3A_573 : memref<672xf32, #tpu.memory_space<hbm>>) target_semaphore(%run_scoped3A : memref<!tpu.dma_semaphore, #tpu.memory_space<semaphore_mem>>)
        %dma_wait3A = arith.constant 0 : i32
        %dma_wait3A_576 = tpu.memref_slice %arg4[%dma_wait3A] : memref<1024xf32, #tpu.memory_space<vmem>> -> memref<672xf32, #tpu.memory_space<vmem>>
        %dma_wait3A_577 = tpu.memref_slice %arg3[%mul3A_570] : memref<100000xf32, #tpu.memory_space<hbm>> -> memref<672xf32, #tpu.memory_space<hbm>>
        %dma_wait3A_578 = tpu.memref_slice %arg3[%mul3A_570] : memref<100000xf32, #tpu.memory_space<hbm>> -> memref<672xf32, #tpu.memory_space<hbm>>
        %dma_wait3A_579 = arith.constant 0 : i32
        %dma_wait3A_580 = tpu.memref_slice %arg4[%dma_wait3A_579] : memref<1024xf32, #tpu.memory_space<vmem>> -> memref<672xf32, #tpu.memory_space<vmem>>
        tpu.wait_dma2 semaphore(%run_scoped3A : memref<!tpu.dma_semaphore, #tpu.memory_space<semaphore_mem>>) src(%dma_wait3A_580 : memref<672xf32, #tpu.memory_space<vmem>>) dst(%dma_wait3A_578 : memref<672xf32, #tpu.memory_space<hbm>>)
        tpu.yield
      }) : () -> ()
    } else {
    }
    %add3A_536 = arith.constant 3 : i32
    %add3A_537 = arith.addi %mul3A_2, %add3A_536 : i32
    %ge3A_538 = arith.constant 16 : i32
    %ge3A_539 = arith.cmpi sge, %add3A_537, %ge3A_538 : i32
    %lt3A_540 = arith.constant 97 : i32
    %lt3A_541 = arith.cmpi slt, %add3A_537, %lt3A_540 : i32
    %and3A_542 = arith.andi %ge3A_539, %lt3A_541 : i1
    %convert_element_type3A_543 = arith.extui %and3A_542 : i1 to i32
    %cond3A_544 = arith.constant 0 : i32
    %cond3A_545 = arith.cmpi ne, %convert_element_type3A_543, %cond3A_544 : i32
    scf.if %cond3A_545 {
      %dma_wait3A = arith.constant 0 : i32
      %dma_wait3A_569 = tpu.memref_slice %arg2[%dma_wait3A] : memref<100000xf32, #tpu.memory_space<hbm>> -> memref<1024xf32, #tpu.memory_space<hbm>>
      %dma_wait3A_570 = arith.constant 0 : i32
      %dma_wait3A_571 = tpu.memref_slice %arg2[%dma_wait3A_570] : memref<100000xf32, #tpu.memory_space<hbm>> -> memref<1024xf32, #tpu.memory_space<hbm>>
      tpu.wait_dma2 semaphore(%arg8 : memref<!tpu.dma_semaphore, #tpu.memory_space<semaphore_mem>>) src(%dma_wait3A_571 : memref<1024xf32, #tpu.memory_space<hbm>>) dst(%arg5 : memref<1024xf32, #tpu.memory_space<vmem>>)
    } else {
    }
    %eq3A_546 = arith.constant 97 : i32
    %eq3A_547 = arith.cmpi eq, %add3A_537, %eq3A_546 : i32
    %convert_element_type3A_548 = arith.extui %eq3A_547 : i1 to i32
    %cond3A_549 = arith.constant 0 : i32
    %cond3A_550 = arith.cmpi ne, %convert_element_type3A_548, %cond3A_549 : i32
    scf.if %cond3A_550 {
      %dma_wait3A = arith.constant 0 : i32
      %dma_wait3A_569 = tpu.memref_slice %arg5[%dma_wait3A] : memref<1024xf32, #tpu.memory_space<vmem>> -> memref<672xf32, #tpu.memory_space<vmem>>
      %dma_wait3A_570 = arith.constant 0 : i32
      %dma_wait3A_571 = tpu.memref_slice %arg2[%dma_wait3A_570] : memref<100000xf32, #tpu.memory_space<hbm>> -> memref<672xf32, #tpu.memory_space<hbm>>
      %dma_wait3A_572 = arith.constant 0 : i32
      %dma_wait3A_573 = tpu.memref_slice %arg5[%dma_wait3A_572] : memref<1024xf32, #tpu.memory_space<vmem>> -> memref<672xf32, #tpu.memory_space<vmem>>
      %dma_wait3A_574 = arith.constant 0 : i32
      %dma_wait3A_575 = tpu.memref_slice %arg2[%dma_wait3A_574] : memref<100000xf32, #tpu.memory_space<hbm>> -> memref<672xf32, #tpu.memory_space<hbm>>
      tpu.wait_dma2 semaphore(%arg8 : memref<!tpu.dma_semaphore, #tpu.memory_space<semaphore_mem>>) src(%dma_wait3A_575 : memref<672xf32, #tpu.memory_space<hbm>>) dst(%dma_wait3A_573 : memref<672xf32, #tpu.memory_space<vmem>>)
    } else {
    }
    %lt3A_551 = arith.constant 16 : i32
    %lt3A_552 = arith.cmpi slt, %add3A_537, %lt3A_551 : i32
    %convert_element_type3A_553 = arith.extui %lt3A_552 : i1 to i32
    %cond3A_554 = arith.constant 0 : i32
    %cond3A_555 = arith.cmpi ne, %convert_element_type3A_553, %cond3A_554 : i32
    scf.if %cond3A_555 {
      %mul3A_569 = arith.constant 1024 : i32
      %mul3A_570 = arith.muli %add3A_537, %mul3A_569 : i32
      "tpu.region"() ({
        %run_scoped3A = tpu.sem_alloc : memref<!tpu.dma_semaphore, #tpu.memory_space<semaphore_mem>>
        %dma_start3A = tpu.memref_slice %arg3[%mul3A_570] : memref<100000xf32, #tpu.memory_space<hbm>> -> memref<1024xf32, #tpu.memory_space<hbm>>
        %dma_start3A_571 = tpu.memref_slice %arg3[%mul3A_570] : memref<100000xf32, #tpu.memory_space<hbm>> -> memref<1024xf32, #tpu.memory_space<hbm>>
        tpu.enqueue_dma source(%arg6 : memref<1024xf32, #tpu.memory_space<vmem>>) target(%dma_start3A_571 : memref<1024xf32, #tpu.memory_space<hbm>>) target_semaphore(%run_scoped3A : memref<!tpu.dma_semaphore, #tpu.memory_space<semaphore_mem>>)
        %dma_wait3A = tpu.memref_slice %arg3[%mul3A_570] : memref<100000xf32, #tpu.memory_space<hbm>> -> memref<1024xf32, #tpu.memory_space<hbm>>
        %dma_wait3A_572 = tpu.memref_slice %arg3[%mul3A_570] : memref<100000xf32, #tpu.memory_space<hbm>> -> memref<1024xf32, #tpu.memory_space<hbm>>
        tpu.wait_dma2 semaphore(%run_scoped3A : memref<!tpu.dma_semaphore, #tpu.memory_space<semaphore_mem>>) src(%arg6 : memref<1024xf32, #tpu.memory_space<vmem>>) dst(%dma_wait3A_572 : memref<1024xf32, #tpu.memory_space<hbm>>)
        tpu.yield
      }) : () -> ()
    } else {
    }
    %ge3A_556 = arith.constant 16 : i32
    %ge3A_557 = arith.cmpi sge, %add3A_537, %ge3A_556 : i32
    %lt3A_558 = arith.constant 97 : i32
    %lt3A_559 = arith.cmpi slt, %add3A_537, %lt3A_558 : i32
    %and3A_560 = arith.andi %ge3A_557, %lt3A_559 : i1
    %convert_element_type3A_561 = arith.extui %and3A_560 : i1 to i32
    %cond3A_562 = arith.constant 0 : i32
    %cond3A_563 = arith.cmpi ne, %convert_element_type3A_561, %cond3A_562 : i32
    scf.if %cond3A_563 {
      %mul3A_569 = arith.constant 1024 : i32
      %mul3A_570 = arith.muli %add3A_537, %mul3A_569 : i32
      "tpu.region"() ({
        %run_scoped3A = tpu.sem_alloc : memref<!tpu.dma_semaphore, #tpu.memory_space<semaphore_mem>>
        %dma_start3A = tpu.memref_slice %arg3[%mul3A_570] : memref<100000xf32, #tpu.memory_space<hbm>> -> memref<1024xf32, #tpu.memory_space<hbm>>
        %dma_start3A_571 = tpu.memref_slice %arg3[%mul3A_570] : memref<100000xf32, #tpu.memory_space<hbm>> -> memref<1024xf32, #tpu.memory_space<hbm>>
        tpu.enqueue_dma source(%arg5 : memref<1024xf32, #tpu.memory_space<vmem>>) target(%dma_start3A_571 : memref<1024xf32, #tpu.memory_space<hbm>>) target_semaphore(%run_scoped3A : memref<!tpu.dma_semaphore, #tpu.memory_space<semaphore_mem>>)
        %dma_wait3A = tpu.memref_slice %arg3[%mul3A_570] : memref<100000xf32, #tpu.memory_space<hbm>> -> memref<1024xf32, #tpu.memory_space<hbm>>
        %dma_wait3A_572 = tpu.memref_slice %arg3[%mul3A_570] : memref<100000xf32, #tpu.memory_space<hbm>> -> memref<1024xf32, #tpu.memory_space<hbm>>
        tpu.wait_dma2 semaphore(%run_scoped3A : memref<!tpu.dma_semaphore, #tpu.memory_space<semaphore_mem>>) src(%arg5 : memref<1024xf32, #tpu.memory_space<vmem>>) dst(%dma_wait3A_572 : memref<1024xf32, #tpu.memory_space<hbm>>)
        tpu.yield
      }) : () -> ()
    } else {
    }
    %eq3A_564 = arith.constant 97 : i32
    %eq3A_565 = arith.cmpi eq, %add3A_537, %eq3A_564 : i32
    %convert_element_type3A_566 = arith.extui %eq3A_565 : i1 to i32
    %cond3A_567 = arith.constant 0 : i32
    %cond3A_568 = arith.cmpi ne, %convert_element_type3A_566, %cond3A_567 : i32
    scf.if %cond3A_568 {
      %mul3A_569 = arith.constant 1024 : i32
      %mul3A_570 = arith.muli %add3A_537, %mul3A_569 : i32
      "tpu.region"() ({
        %run_scoped3A = tpu.sem_alloc : memref<!tpu.dma_semaphore, #tpu.memory_space<semaphore_mem>>
        %dma_start3A = arith.constant 0 : i32
        %dma_start3A_571 = tpu.memref_slice %arg5[%dma_start3A] : memref<1024xf32, #tpu.memory_space<vmem>> -> memref<672xf32, #tpu.memory_space<vmem>>
        %dma_start3A_572 = tpu.memref_slice %arg3[%mul3A_570] : memref<100000xf32, #tpu.memory_space<hbm>> -> memref<672xf32, #tpu.memory_space<hbm>>
        %dma_start3A_573 = tpu.memref_slice %arg3[%mul3A_570] : memref<100000xf32, #tpu.memory_space<hbm>> -> memref<672xf32, #tpu.memory_space<hbm>>
        %dma_start3A_574 = arith.constant 0 : i32
        %dma_start3A_575 = tpu.memref_slice %arg5[%dma_start3A_574] : memref<1024xf32, #tpu.memory_space<vmem>> -> memref<672xf32, #tpu.memory_space<vmem>>
        tpu.enqueue_dma source(%dma_start3A_575 : memref<672xf32, #tpu.memory_space<vmem>>) target(%dma_start3A_573 : memref<672xf32, #tpu.memory_space<hbm>>) target_semaphore(%run_scoped3A : memref<!tpu.dma_semaphore, #tpu.memory_space<semaphore_mem>>)
        %dma_wait3A = arith.constant 0 : i32
        %dma_wait3A_576 = tpu.memref_slice %arg5[%dma_wait3A] : memref<1024xf32, #tpu.memory_space<vmem>> -> memref<672xf32, #tpu.memory_space<vmem>>
        %dma_wait3A_577 = tpu.memref_slice %arg3[%mul3A_570] : memref<100000xf32, #tpu.memory_space<hbm>> -> memref<672xf32, #tpu.memory_space<hbm>>
        %dma_wait3A_578 = tpu.memref_slice %arg3[%mul3A_570] : memref<100000xf32, #tpu.memory_space<hbm>> -> memref<672xf32, #tpu.memory_space<hbm>>
        %dma_wait3A_579 = arith.constant 0 : i32
        %dma_wait3A_580 = tpu.memref_slice %arg5[%dma_wait3A_579] : memref<1024xf32, #tpu.memory_space<vmem>> -> memref<672xf32, #tpu.memory_space<vmem>>
        tpu.wait_dma2 semaphore(%run_scoped3A : memref<!tpu.dma_semaphore, #tpu.memory_space<semaphore_mem>>) src(%dma_wait3A_580 : memref<672xf32, #tpu.memory_space<vmem>>) dst(%dma_wait3A_578 : memref<672xf32, #tpu.memory_space<hbm>>)
        tpu.yield
      }) : () -> ()
    } else {
    }
    return
  }
}

module attributes {stable_mosaic.version = 14 : i64} {
  func.func @_tc_mem_body(%arg0: i32, %arg1: memref<8192x128xf32, #tpu.memory_space<vmem>>, %arg2: memref<8192x128xf32, #tpu.memory_space<vmem>>, %arg3: memref<8192x128xf32, #tpu.memory_space<vmem>>) attributes {dimension_semantics = [#tpu.dimension_semantics<arbitrary>], iteration_bounds = array<i64: 13>, scalar_prefetch = 0 : i64, scratch_operands = 0 : i64, tpu.core_type = #tpu.core_type<tc>, window_params = [{transform_indices = @transform_0, window_bounds = array<i64: 8192, 128>}, {transform_indices = @transform_1, window_bounds = array<i64: 8192, 128>}, {transform_indices = @transform_2, window_bounds = array<i64: 8192, 128>}]} {
    %lt3A = arith.constant 2 : i32
    %lt3A_0 = arith.cmpi slt, %arg0, %lt3A : i32
    %convert_element_type3A = arith.extui %lt3A_0 : i1 to i32
    %cond3A = arith.constant 0 : i32
    %cond3A_1 = arith.cmpi ne, %convert_element_type3A, %cond3A : i32
    scf.if %cond3A_1 {
      %get3A = arith.constant 0 : index
      %get3A_6 = arith.constant 0 : index
      %get3A_7 = vector.load %arg1[%get3A, %get3A_6] : memref<8192x128xf32, #tpu.memory_space<vmem>>, vector<8192x128xf32>
      %swap3A = arith.constant 0 : index
      %swap3A_8 = arith.constant 0 : index
      %swap3A_9 = vector.load %arg3[%swap3A, %swap3A_8] : memref<8192x128xf32, #tpu.memory_space<vmem>>, vector<8192x128xf32>
      tpu.vector_store %arg3[%swap3A, %swap3A_8], %get3A_7 {strides = array<i32>} : memref<8192x128xf32, #tpu.memory_space<vmem>>, vector<8192x128xf32>,
    } else {
    }
    %ge3A = arith.constant 2 : i32
    %ge3A_2 = arith.cmpi sge, %arg0, %ge3A : i32
    %convert_element_type3A_3 = arith.extui %ge3A_2 : i1 to i32
    %cond3A_4 = arith.constant 0 : i32
    %cond3A_5 = arith.cmpi ne, %convert_element_type3A_3, %cond3A_4 : i32
    scf.if %cond3A_5 {
      %get3A = arith.constant 0 : index
      %get3A_6 = arith.constant 0 : index
      %get3A_7 = vector.load %arg2[%get3A, %get3A_6] : memref<8192x128xf32, #tpu.memory_space<vmem>>, vector<8192x128xf32>
      %swap3A = arith.constant 0 : index
      %swap3A_8 = arith.constant 0 : index
      %swap3A_9 = vector.load %arg3[%swap3A, %swap3A_8] : memref<8192x128xf32, #tpu.memory_space<vmem>>, vector<8192x128xf32>
      tpu.vector_store %arg3[%swap3A, %swap3A_8], %get3A_7 {strides = array<i32>} : memref<8192x128xf32, #tpu.memory_space<vmem>>, vector<8192x128xf32>,
    } else {
    }
    return
  }
  func.func @transform_0(%arg0: i32) -> (i32, i32) {
    %min3A = arith.constant 1 : i32
    %min3A_0 = arith.minsi %arg0, %min3A : i32
    %c0_i32 = arith.constant 0 : i32
    %c0_i32_1 = arith.constant 0 : i32
    return %min3A_0, %c0_i32 : i32, i32
  }
  func.func @transform_1(%arg0: i32) -> (i32, i32) {
    %max3A = arith.constant 2 : i32
    %max3A_0 = arith.maxsi %arg0, %max3A : i32
    %c0_i32 = arith.constant 0 : i32
    %c0_i32_1 = arith.constant 0 : i32
    return %max3A_0, %c0_i32 : i32, i32
  }
  func.func @transform_2(%arg0: i32) -> (i32, i32) {
    %c0_i32 = arith.constant 0 : i32
    %c0_i32_0 = arith.constant 0 : i32
    return %arg0, %c0_i32 : i32, i32
  }
}

</mosaic_0001>

<sc_bundles>
// kernel: kernel.4.cloned.1.call-start
scs
__scs_entry_jumppad:
0x0: {  	(pc) =	sbr.rel $0x88, $3  }
0x1: {  	(tag) =	ssettag $0x0;
	lr =	simm.s32 $0x1  }
0x2: {  	[smem:$0x3F9E] =	sst lr;
	_ =	strace $0xD0000000  }
0x3: {  	_ = 	snop  }
0x4: {  	_ = 	snop  }
0x5: {  	_ = 	snop  }
0x6: {  	_ = 	snop  }
0x7: {  	_ = 	snop  }
__scs_overlays_trampoline_lowered:
0x8: {  	[smem:$0x3FAD] =	sst s0  }
0x9: {  	[smem:$0x3FAE] =	sst s1  }
0xa: {  	[smem:$0x3FAF] =	sst s2  }
0xb: {  	[smem:$0x3FB0] =	sst s3  }
0xc: {  	[smem:$0x3FB1] =	sst s4  }
0xd: {  	[smem:$0x3FB2] =	sst s5  }
0xe: {  	[smem:$0x3FB3] =	sst s6  }
0xf: {  	[smem:$0x3FB4] =	sst s7  }
0x10: {  	[smem:$0x3FB5] =	sst s8  }
0x11: {  	[smem:$0x3FB6] =	sst s9;
	s0 =	simm.s32 @!p0 $0x0  }
0x12: {  	s1 =	sld [smem:$0x3F9C];
	s0 =	simm.s32 @p0 $0x1  }
0x13: {  	[smem:$0x3FB7] =	sst s0;
	s0 =	simm.s32 @!p1 $0x0  }
0x14: {  	s2 =	sld [smem:$0x3F9B];
	s0 =	simm.s32 @p1 $0x1  }
0x15: {  	[smem:$0x3FB8] =	sst s0;
	s0 =	simm.s32 @!p2 $0x0  }
0x16: {  	s3 =	sld [smem:$0x3FDB];
	s0 =	simm.s32 @p2 $0x1  }
0x17: {  	s4 =	simm.s32 $0x1BF5;
	[smem:$0x3FBA] =	sst s0  }
0x18: {  	s0 =	sld [smem:$0x3F9D];
	_ =	swait.ge [sflag:s4], $0x0  }
0x19: {  	s7 =	sld [smem:$0x3F9E]  }
0x1a: {  	s8 =	sadd.s32 $0xFFFFE003, lr  }
0x1b: {  	s9 =	sadd.s32 $0xFFFFFEF7, lr;
	s5 =	simm.s32 $0xFFFFFFFF;
	p2 =	slt.u32 s8, $0xFFFFF086  }
0x1c: {  	p1 =	slt.u32 s9, $0xF7A;
	s5 =	simm.s32 @!p2 $0x0  }
0x1d: {  	s5 =	simm.s32 @p1 $0x1;
	p0 =	seq.s32 s7, s2  }
0x1e: {  	s7 =	smul.u32 @!p0 $0xF7A, s2;
	p2 =	seq.s32 @!p0 s5, $0x0  }
0x1f: {  	s9 =	smul.u32 $0xF7A, s1;
	s8 =	simm.s32 @!p0 $0x1BF5;
	p2 =	por !p2, p0  }
0x20: {  	[sflag:s8] =	ssyncset.s32 @!p0 $0xFFFFF086;
	s6 =	sadd.s32 @!p0 s3, s7;
	s7 =	simm.s32 @!p0 $0x108  }
0x21: {  	s3 =	sadd.s32 s3, s9;
	s6 =	sadd.s32 @!p0 $0x88, s6;
	s7 =	simm.s32 @p2 $0x1082  }
0x22: {  	[simem:s7], [sflag:s8] =	dma.local @!p0 [hbm:s6], $0xF7A  }
0x23: {  	s9 =	sor.u32 $0xD0000000, s2;
	s6 =	simm.s32 $0x108;
	_ =	swait.ge @!p0 [sflag:s8], $0x0  }
0x24: {  	s3 =	sadd.s32 $0x88, s3;
	s6 =	simm.s32 @!p1 $0x1082;
	[sflag:s4] =	ssyncset.s32 $0xFFFFF086  }
0x25: {  	[simem:s6], [sflag:s4] =	dma.local [hbm:s3], $0xF7A  }
0x26: {  	[smem:$0x3F9E] =	sst s1;
	(tag) =	ssettag s2;
	_ =	strace s9  }
0x27: {  	s1 =	sld [smem:$0x3FAE]  }
0x28: {  	s2 =	sld [smem:$0x3FAF]  }
0x29: {  	s4 =	sld [smem:$0x3FB1]  }
0x2a: {  	p0 =	seq.s32 s5, $0x0;
	s5 =	sld [smem:$0x3FB2]  }
0x2b: {  	s6 =	sld [smem:$0x3FB3]  }
0x2c: {  	s7 =	sld [smem:$0x3FB4]  }
0x2d: {  	s3 =	simm.s32 $0x108;
	s8 =	sld [smem:$0x3FB5]  }
0x2e: {  	s3 =	simm.s32 @!p0 $0x1082;
	s9 =	sld [smem:$0x3FB6]  }
0x2f: {  	lr =	sadd.s32 s0, s3;
	s0 =	sld [smem:$0x3FAD]  }
0x30: {  	s3 =	sld [smem:$0x3FB0]  }
0x31: {  	[smem:$0x3FB9] =	sst s10  }
0x32: {  	s10 =	sld [smem:$0x3FB7];
	_ =	sdelay $0x3  }
0x33: {  	p0 =	seq.s32 s10, $0x1;
	s10 =	sld [smem:$0x3FB9];
	_ =	sdelay $0x3  }
0x34: {  	[smem:$0x3FB9] =	sst s10  }
0x35: {  	s10 =	sld [smem:$0x3FB8];
	_ =	sdelay $0x3  }
0x36: {  	p1 =	seq.s32 s10, $0x1;
	s10 =	sld [smem:$0x3FB9];
	_ =	sdelay $0x3  }
0x37: {  	[smem:$0x3FB9] =	sst s10  }
0x38: {  	s10 =	sld [smem:$0x3FBA]  }
0x39: {  	_ = 	snop;
	(pc) =	sbr.ind lr, $3  }
0x3a: {  	_ = 	snop  }
0x3b: {  	_ = 	snop  }
0x3c: {  	p2 =	seq.s32 s10, $0x1;
	s10 =	sld [smem:$0x3FB9]  }
0x3d: {  	_ =	shalt  }
0x3e: {  	_ =	shalt  }
0x3f: {  	_ =	shalt  }
0x40: {  	_ =	shalt  }
0x41: {  	_ =	shalt  }
0x42: {  	_ =	shalt  }
0x43: {  	_ =	shalt  }
0x44: {  	_ =	shalt  }
0x45: {  	_ =	shalt  }
0x46: {  	_ =	shalt  }
0x47: {  	_ =	shalt  }
0x48: {  	_ =	shalt  }
0x49: {  	_ =	shalt  }
0x4a: {  	_ =	shalt  }
0x4b: {  	_ =	shalt  }
0x4c: {  	_ =	shalt  }
0x4d: {  	_ =	shalt  }
0x4e: {  	_ =	shalt  }
0x4f: {  	_ =	shalt  }
0x50: {  	_ =	shalt  }
0x51: {  	_ =	shalt  }
0x52: {  	_ =	shalt  }
0x53: {  	_ =	shalt  }
0x54: {  	_ =	shalt  }
0x55: {  	_ =	shalt  }
0x56: {  	_ =	shalt  }
0x57: {  	_ =	shalt  }
0x58: {  	_ =	shalt  }
0x59: {  	_ =	shalt  }
0x5a: {  	_ =	shalt  }
0x5b: {  	_ =	shalt  }
0x5c: {  	_ =	shalt  }
0x5d: {  	_ =	shalt  }
0x5e: {  	_ =	shalt  }
0x5f: {  	_ =	shalt  }
0x60: {  	_ =	shalt  }
0x61: {  	_ =	shalt  }
0x62: {  	_ =	shalt  }
0x63: {  	_ =	shalt  }
0x64: {  	_ =	shalt  }
0x65: {  	_ =	shalt  }
0x66: {  	_ =	shalt  }
0x67: {  	_ =	shalt  }
0x68: {  	_ =	shalt  }
0x69: {  	_ =	shalt  }
0x6a: {  	_ =	shalt  }
0x6b: {  	_ =	shalt  }
0x6c: {  	_ =	shalt  }
0x6d: {  	_ =	shalt  }
0x6e: {  	_ =	shalt  }
0x6f: {  	_ =	shalt  }
0x70: {  	_ =	shalt  }
0x71: {  	_ =	shalt  }
0x72: {  	_ =	shalt  }
0x73: {  	_ =	shalt  }
0x74: {  	_ =	shalt  }
0x75: {  	_ =	shalt  }
0x76: {  	_ =	shalt  }
0x77: {  	_ =	shalt  }
0x78: {  	_ =	shalt  }
0x79: {  	_ =	shalt  }
0x7a: {  	_ =	shalt  }
0x7b: {  	_ =	shalt  }
0x7c: {  	_ =	shalt  }
0x7d: {  	_ =	shalt  }
0x7e: {  	_ =	shalt  }
0x7f: {  	_ =	shalt  }
0x80: {  	_ =	shalt  }
0x81: {  	_ =	shalt  }
0x82: {  	_ =	shalt  }
0x83: {  	_ =	shalt  }
0x84: {  	_ =	shalt  }
0x85: {  	_ =	shalt  }
0x86: {  	_ =	shalt  }
0x87: {  	_ =	shalt  }
.Lfunc_end0:
.L_simem_size_0:
called_computation_lowered:
.L_overlay_start_0:
0x88: {  	s2 =	sld [smem:$0x3FD9]  }
0x89: {  	s3 =	sld [smem:$0x3FFE];
	_ =	sdelay $0x1  }
0x8a: {  	s1 =	srdreg.scid  }
0x8b: {  	s0 =	sand.u32 $0x1, s1  }
0x8c: {  	s15 =	sshll.u32 s0, $0xA;
	s2 =	sadd.s32 s3, s2  }
0x8d: {  	s2 =	sadd.s32 s2, s15  }
0x8e: {  	[smem:$0x3FC5] =	sst s2  }
0x8f: {  	_ = 	snop  }
0x90: {  	s2 =	sld [smem:$0x3FD0];
	_ =	sdelay $0x2  }
0x91: {  	s4 =	simm.s32 $0xA;
	s5 =	simm.s32 $0x10;
	s16 =	sld [smem:$0x3FC7]  }
0x92: {  	[smem:s5], [sflag:s4] =	dma.local [hbm:s2], $0x1  }
0x93: {  	_ =	swait.eq [sflag:s4], $0x1  }
0x94: {  	[sflag:s4] =	ssyncset.done $0x0  }
0x95: {  	[sflag:s4] =	ssyncadd.s32 $0xFFFFFFFF  }
0x96: {  	s17 =	sld [smem:$0x11];
	(tm) =	ssettm $0x1  }
0x97: {  	s18 =	sld [smem:$0x3FFB];
	_ =	sdelay $0x3  }
0x98: {  	_ =	strace s18  }
0x99: {  	s4 =	sld [smem:$0x3FFC];
	_ =	sdelay $0x3  }
0x9a: {  	_ =	strace s4  }
0x9b: {  	s4 =	sld [smem:$0x3FFD];
	_ =	sdelay $0x3  }
0x9c: {  	_ =	strace s4  }
0x9d: {  	_ =	strace $0x8FFFFFFF  }
0x9e: {  	s19 =	sld [smem:$0x3FDB];
	_ =	sdelay $0x1  }
0x9f: {  	s20 =	simm.s32 $_scs_section_size  }
0xa0: {  	s6 =	simm.s32 $_size__tile_overlayer_lowered;
	s7 =	simm.s32 $_tile_overlayer_lowered  }
0xa1: {  	s23 =	simm.s32 $0x1BFF;
	s22 =	sshll.u32 s7, $0x1;
	s4 =	sadd.s32 s20, s19  }
0xa2: {  	s8 =	simm.s32 $0x0;
	s21 =	sshll.u32 s6, $0x1;
	s6 =	sadd.s32 s22, s4  }
0xa3: {  	[timem:s8], [sflag:s23] =	dma.local [hbm:s6], s21  }
0xa4: {  	_ =	swait.ge [sflag:s23], s21  }
0xa5: {  	s5 =	ssub.s32 $0x0, s21;
	[sflag:s23] =	ssyncset.done $0x0  }
0xa6: {  	[sflag:s23] =	ssyncadd.s32 s5;
	_ =	sdelay $0x1  }
0xa7: {  	s24 =	simm.s32 $0x1B8B  }
0xa8: {  	_ =	swait.ge [sflag:s24], $0x1  }
0xa9: {  	[sflag:s24] =	ssyncset.done $0x0  }
0xaa: {  	s25 =	simm.s32 $0x1B8E;
	[sflag:s24] =	ssyncadd.s32 $0xFFFFFFFF  }
0xab: {  	s26 =	simm.s32 $execute0_lowered;
	[smem:$0x3FD2] =	sst s25  }
0xac: {  	s5 =	sshll.u32 s26, $0x1;
	_ =	strace $0x80000046;
	[dreg:$0x1] =	wrdreg $0xFFFFFFFF  }
0xad: {  	s28 =	simm.s32 $_size_execute0_lowered;
	s4 =	sadd.s32 s4, s5;
	[dreg:$0x0] =	wrdreg $0x0  }
0xae: {  	s5 =	sshll.u32 s28, $0x1;
	[dreg:$0x2] =	wrdreg s4  }
0xaf: {  	[dreg:$0x3] =	wrdreg s5  }
0xb0: {  	[dreg:$0x4] =	wrdreg $0xC0  }
0xb1: {  	_ =	task [dreg:s8], $0x5FFFF  }
0xb2: {  	[dreg:$0x1] =	wrdreg $0xFFFFFFFF  }
0xb3: {  	[dreg:$0x0] =	wrdreg $0x60  }
0xb4: {  	[dreg:$0x2] =	wrdreg s16  }
0xb5: {  	[dreg:$0x3] =	wrdreg s17  }
0xb6: {  	[dreg:$0x4] =	wrdreg $0x9  }
0xb7: {  	_ =	task.clear_ibuf [dreg:s8], $0x5FFFF;
	_ =	strace $0x90000046  }
0xb8: {  	s29 =	simm.s32 $0x9;
	_ =	strace $0x80000048  }
0xb9: {  	_ =	swait.ge [sflag:s29], $0x1  }
0xba: {  	[sflag:s29] =	ssyncadd.s32 $0xFFFFFFFF  }
0xbb: {  	_ =	strace $0x90000048  }
0xbc: {  	_ =	sfence  }
0xbd: {  	s30 =	sld [smem:$0x0];
	_ =	sdelay $0x2  }
0xbe: {  	s31 =	sshll.u32 s1, $0xD;
	s1 =	sshrl.u32 s1, $0x2  }
0xbf: {  	s3 =	sand.u32 $0x4000, s31;
	s1 =	sadd.s32 s1, s30  }
0xc0: {  	s0 =	sor.u32 s3, s0;
	s1 =	sshll.u32 s1, $0x11  }
0xc1: {  	s0 =	sor.u32 s1, s0  }
0xc2: {  	s0 =	sadd.s32 $0x8F2B, s0  }
0xc3: {  	[sflag:s0] =	ssyncadd.remote.s32 $0x1  }
0xc4: {  	_ =	sfence.sel $0xFFFF  }
0xc5: {  	[dreg:$0x0] =	wrdreg $0xFFFFFFFF;
	(pc) =	sbr.abs _section_cstart, $3  }
0xc6: {  	[dreg:$0x1] =	wrdreg $0xFFFFFFFF  }
0xc7: {  	_ =	task.clear_ibuf [dreg:s8], $0x2FFFF;
	_ =	strace $0x9FFFFFFF  }
0xc8: {  	(tm) =	ssettm $0x7FFFFFFF  }
0xc9: {  	_ =	shalt  }
tec
execute0_lowered:
.L_overlay_start_1:
0x0: {  	(tag) =	ssettag $0x1  }
0x1: {  	s2 =	rddreg [dreg:$0x0];
	s1 =	simm.s32 $0x0  }
0x2: {  	v0 =	vimm.f32 $1.000000000e+00;
	[smem:$0x7FF] =	sst s1  }
0x3: {  	s0 =	rddreg [dreg:$0x1];
	_ =	strace $0x80000047;
	[tilespmem:$0x800] =	vst v0  }
0x4: {  	[tilespmem:$0xBF0] =	vst v0  }
0x5: {  	[tilespmem:$0xBE0] =	vst v0  }
0x6: {  	[tilespmem:$0xBD0] =	vst v0  }
0x7: {  	[tilespmem:$0xBC0] =	vst v0  }
0x8: {  	[tilespmem:$0xBB0] =	vst v0  }
0x9: {  	[tilespmem:$0xBA0] =	vst v0  }
0xa: {  	[tilespmem:$0xB90] =	vst v0  }
0xb: {  	[tilespmem:$0xB80] =	vst v0  }
0xc: {  	[tilespmem:$0xB70] =	vst v0  }
0xd: {  	[tilespmem:$0xB60] =	vst v0  }
0xe: {  	[tilespmem:$0xB50] =	vst v0  }
0xf: {  	[tilespmem:$0xB40] =	vst v0  }
0x10: {  	[tilespmem:$0xB30] =	vst v0  }
0x11: {  	[tilespmem:$0xB20] =	vst v0  }
0x12: {  	[tilespmem:$0xB10] =	vst v0  }
0x13: {  	[tilespmem:$0xB00] =	vst v0  }
0x14: {  	[tilespmem:$0xAF0] =	vst v0  }
0x15: {  	[tilespmem:$0xAE0] =	vst v0  }
0x16: {  	[tilespmem:$0xAD0] =	vst v0  }
0x17: {  	[tilespmem:$0xAC0] =	vst v0  }
0x18: {  	[tilespmem:$0xAB0] =	vst v0  }
0x19: {  	[tilespmem:$0xAA0] =	vst v0  }
0x1a: {  	[tilespmem:$0xA90] =	vst v0  }
0x1b: {  	[tilespmem:$0xA80] =	vst v0  }
0x1c: {  	[tilespmem:$0xA70] =	vst v0  }
0x1d: {  	[tilespmem:$0xA60] =	vst v0  }
0x1e: {  	[tilespmem:$0xA50] =	vst v0  }
0x1f: {  	[tilespmem:$0xA40] =	vst v0  }
0x20: {  	[tilespmem:$0xA30] =	vst v0  }
0x21: {  	[tilespmem:$0xA20] =	vst v0  }
0x22: {  	[tilespmem:$0xA10] =	vst v0  }
0x23: {  	[tilespmem:$0xA00] =	vst v0  }
0x24: {  	[tilespmem:$0x9F0] =	vst v0  }
0x25: {  	[tilespmem:$0x9E0] =	vst v0  }
0x26: {  	[tilespmem:$0x9D0] =	vst v0  }
0x27: {  	[tilespmem:$0x9C0] =	vst v0  }
0x28: {  	[tilespmem:$0x9B0] =	vst v0  }
0x29: {  	[tilespmem:$0x9A0] =	vst v0  }
0x2a: {  	[tilespmem:$0x990] =	vst v0  }
0x2b: {  	[tilespmem:$0x980] =	vst v0  }
0x2c: {  	[tilespmem:$0x970] =	vst v0  }
0x2d: {  	[tilespmem:$0x960] =	vst v0  }
0x2e: {  	[tilespmem:$0x950] =	vst v0  }
0x2f: {  	[tilespmem:$0x940] =	vst v0  }
0x30: {  	[tilespmem:$0x930] =	vst v0  }
0x31: {  	[tilespmem:$0x920] =	vst v0  }
0x32: {  	[tilespmem:$0x910] =	vst v0  }
0x33: {  	[tilespmem:$0x900] =	vst v0  }
0x34: {  	[tilespmem:$0x8F0] =	vst v0  }
0x35: {  	[tilespmem:$0x8E0] =	vst v0  }
0x36: {  	[tilespmem:$0x8D0] =	vst v0  }
0x37: {  	s3 =	srdreg.scid;
	s11 =	stileid.u32;
	[tilespmem:$0x8C0] =	vst v0  }
0x38: {  	s26 =	sand.u32 $0x1, s3;
	s12 =	sshll.u32 s11, $0x1;
	s14 =	sadd.s32 $0x3080, s2;
	[tilespmem:$0x8B0] =	vst v0  }
0x39: {  	p0 =	sgt.u32 s11, $0x1;
	s3 =	sor.u32 s26, s12;
	[tilespmem:$0x8A0] =	vst v0;
	[dreg:$0x5] =	wrdreg s14  }
0x3a: {  	[tilespmem:$0x890] =	vst v0;
	s18 =	sshll.u32 s3, $0x2;
	s8 =	sshll.u32 s3, $0x9;
	s28 =	sshllo.u32 s3, $0x2  }
0x3b: {  	[tilespmem:$0x880] =	vst v0;
	p3 =	sne.s32 s3, $0x18;
	s9 =	rddreg [dreg:$0x5];
	s4 =	sor.u32 $0x1, s18  }
0x3c: {  	[tilespmem:$0x870] =	vst v0;
	s5 =	sadd.s32 $0xFFFFFFF0, s18;
	s6 =	sadd.s32 s2, s8;
	s23 =	sor.u32 $0x100, s8  }
0x3d: {  	[tilespmem:$0x860] =	vst v0;
	s17 =	sshll.u32 s28, $0x7;
	[dreg:$0x3] =	wrdreg s6;
	s15 =	sadd.s32 s2, s23  }
0x3e: {  	[tilespmem:$0x850] =	vst v0;
	s16 =	sshll.u32 s4, $0x7;
	p1 =	slt.u32 s4, $0x61;
	[dreg:$0x6] =	wrdreg s15  }
0x3f: {  	[tilespmem:$0x840] =	vst v0;
	p2 =	sgt.u32 s5, $0x50;
	s13 =	sadd.s32 s2, s16;
	s4 =	rddreg [dreg:$0x3]  }
0x40: {  	[tilespmem:$0x830] =	vst v0;
	p1 =	por !p0, !p1;
	s2 =	sadd.s32 s2, s17;
	[dreg:$0x4] =	wrdreg s13  }
0x41: {  	[tilespmem:$0x820] =	vst v0;
	s6 =	simm.s32 @!p3 $0x400;
	p1 =	por !p1, !p1;
	[dreg:$0x7] =	wrdreg s2  }
0x42: {  	[tilespmem:$0x810] =	vst v0;
	s2 =	simm.s32 @!p2 $0x0;
	s1 =	simm.s32 @!p1 $0x0;
	s5 =	rddreg [dreg:$0x4]  }
0x43: {  	[tilespmem:s2], [sflag:$0x1] =	stream.linear.gather @!p2 [hbm4b:s4+s2], $0x400, $0x38;
	[tilespmem:$0xC00] =	vst v63  }
0x44: {  	s3 =	simm.s32 @p1 $0x0;
	s4 =	simm.s32 @p1 $0x400;
	s1 =	simm.s32 @p1 $0x1  }
0x45: {  	[tilespmem:s4], [sflag:$0x2] =	stream.linear.gather @p1 [hbm4b:s5+s3], $0x400, $0x38;
	[tilespmem:$0xC00] =	vst v63  }
0x46: {  	s7 =	simm.s32 @!p2 $0x1;
	[smem:$0x7FD] =	sst s1;
	s5 =	simm.s32 @!p3 $0x0  }
0x47: {  	[tilespmem:s6], [sflag:$0x2] =	stream.linear.gather @!p3 [hbm4b:s9+s5], $0x2A0, $0x38;
	[tilespmem:$0xC00] =	vst v63  }
0x48: {  	_ =	swait.ge @!p2 [sflag:s7], $0x400  }
0x49: {  	s10 =	simm.s32 @!p0 $0x0;
	s11 =	simm.s32 @!p0 $0x800;
	[sflag:s7] =	ssyncset.done @!p2 $0x0  }
0x4a: {  	s8 =	sadd.s32 s0, s8;
	s9 =	simm.s32 @!p0 $0x3;
	[sflag:s7] =	ssyncadd.s32 @!p2 $0xFFFFFC00  }
0x4b: {  	[hbm4b:s8+s10] =	stream.linear.scatter @!p0 [tilespmem:s11], [sflag:$0x3], $0x400, $0x38;
	[tilespmem:$0xC00] =	vst v63  }
0x4c: {  	_ =	swait.ge @!p0 [sflag:s9], $0x400  }
0x4d: {  	[sflag:s9] =	ssyncset.done @!p0 $0x0  }
0x4e: {  	s12 =	simm.s32 @!p2 $0x3;
	[sflag:s9] =	ssyncadd.s32 @!p0 $0xFFFFFC00  }
0x4f: {  	[hbm4b:s8+s2] =	stream.linear.scatter @!p2 [tilespmem:s2], [sflag:$0x3], $0x400, $0x38;
	[tilespmem:$0xC00] =	vst v63  }
0x50: {  	s13 =	sadd.s32 $0xFFFFFFF2, s18;
	_ =	swait.ge @!p2 [sflag:s12], $0x400  }
0x51: {  	p4 =	sgt.u32 s13, $0x50;
	s14 =	simm.s32 @p1 $0x2;
	[sflag:s12] =	ssyncset.done @!p2 $0x0  }
0x52: {  	s13 =	simm.s32 @!p4 $0x0;
	s15 =	rddreg [dreg:$0x6];
	[sflag:s12] =	ssyncadd.s32 @!p2 $0xFFFFFC00  }
0x53: {  	[tilespmem:s13], [sflag:$0x1] =	stream.linear.gather @!p4 [hbm4b:s15+s13], $0x400, $0x38;
	[tilespmem:$0xC00] =	vst v63  }
0x54: {  	_ =	swait.ge @p1 [sflag:s14], $0x400  }
0x55: {  	[sflag:s14] =	ssyncset.done @p1 $0x0  }
0x56: {  	s15 =	simm.s32 @!p3 $0x2;
	[sflag:s14] =	ssyncadd.s32 @p1 $0xFFFFFC00  }
0x57: {  	_ =	swait.ge @!p3 [sflag:s15], $0x2A0  }
0x58: {  	[sflag:s15] =	ssyncset.done @!p3 $0x0  }
0x59: {  	s16 =	sadd.s32 s0, s16;
	[sflag:s15] =	ssyncadd.s32 @!p3 $0xFFFFFD60  }
0x5a: {  	[hbm4b:s16+s10] =	stream.linear.scatter @!p0 [tilespmem:s11], [sflag:$0x3], $0x400, $0x38;
	[tilespmem:$0xC00] =	vst v63  }
0x5b: {  	_ =	swait.ge @!p0 [sflag:s9], $0x400  }
0x5c: {  	s18 =	sadd.s32 $0xFFFFFFF3, s18;
	[sflag:s9] =	ssyncset.done @!p0 $0x0  }
0x5d: {  	s17 =	simm.s32 @p1 $0x3;
	p5 =	sgt.u32 @p3 s18, $0x50;
	[sflag:s9] =	ssyncadd.s32 @!p0 $0xFFFFFC00  }
0x5e: {  	[hbm4b:s16+s3] =	stream.linear.scatter @p1 [tilespmem:s4], [sflag:$0x3], $0x400, $0x38;
	[tilespmem:$0xC00] =	vst v63  }
0x5f: {  	p6 =	por p5, !p3;
	_ =	swait.ge @p1 [sflag:s17], $0x400  }
0x60: {  	s1 =	simm.s32 @!p6 $0x0;
	[sflag:s17] =	ssyncset.done @p1 $0x0  }
0x61: {  	s18 =	simm.s32 @!p6 $0x400;
	s20 =	rddreg [dreg:$0x7];
	[sflag:s17] =	ssyncadd.s32 @p1 $0xFFFFFC00  }
0x62: {  	[tilespmem:s18], [sflag:$0x2] =	stream.linear.gather @!p6 [hbm4b:s20+s1], $0x400, $0x38;
	[tilespmem:$0xC00] =	vst v63  }
0x63: {  	s21 =	simm.s32 @!p3 $0x3;
	s20 =	sadd.s32 $0x3080, s0  }
0x64: {  	[hbm4b:s20+s5] =	stream.linear.scatter @!p3 [tilespmem:s6], [sflag:$0x3], $0x2A0, $0x38;
	[tilespmem:$0xC00] =	vst v63  }
0x65: {  	_ =	swait.ge @!p3 [sflag:s21], $0x2A0  }
0x66: {  	[sflag:s21] =	ssyncset.done @!p3 $0x0  }
0x67: {  	s22 =	simm.s32 @!p4 $0x1;
	[sflag:s21] =	ssyncadd.s32 @!p3 $0xFFFFFD60  }
0x68: {  	s28 =	simm.s32 @!p3 $0x63;
	_ =	swait.ge @!p4 [sflag:s22], $0x400  }
0x69: {  	s23 =	sadd.s32 s0, s23;
	p5 =	por !p5, !p3;
	[sflag:s22] =	ssyncset.done @!p4 $0x0  }
0x6a: {  	s29 =	sshll.u32 @!p0 s28, $0x7;
	s1 =	simm.s32 @!p5 $0x0;
	[sflag:s22] =	ssyncadd.s32 @!p4 $0xFFFFFC00  }
0x6b: {  	[hbm4b:s23+s10] =	stream.linear.scatter @!p0 [tilespmem:s11], [sflag:$0x3], $0x400, $0x38;
	[tilespmem:$0xC00] =	vst v63  }
0x6c: {  	s24 =	simm.s32 @!p4 $0x3;
	s1 =	simm.s32 @p5 $0x1;
	_ =	swait.ge @!p0 [sflag:s9], $0x400  }
0x6d: {  	[sflag:s9] =	ssyncset.done @!p0 $0x0;
	[smem:$0x7FC] =	sst s1;
	s1 =	simm.s32 @!p6 $0x0  }
0x6e: {  	[sflag:s9] =	ssyncadd.s32 @!p0 $0xFFFFFC00;
	s1 =	simm.s32 @p6 $0x1;
	s18 =	sld [smem:$0x7FC]  }
0x6f: {  	[hbm4b:s23+s13] =	stream.linear.scatter @!p4 [tilespmem:s13], [sflag:$0x3], $0x400, $0x38;
	[tilespmem:$0xC00] =	vst v63  }
0x70: {  	s19 =	simm.s32 @!p6 $0x0;
	s30 =	simm.s32 @!p6 $0x400;
	[smem:$0x7FB] =	sst s1  }
0x71: {  	p5 =	por @p3 $0x0, $0x0;
	s25 =	sld [smem:$0x7FD];
	_ =	swait.ge @!p4 [sflag:s24], $0x400  }
0x72: {  	p6 =	por @!p6 $0x1, $0x1;
	p1 =	seq.s32 s18, $0x1;
	[sflag:s24] =	ssyncset.done @!p4 $0x0  }
0x73: {  	s18 =	ssub.s32 $0x2, s26;
	p6 =	por @!p1 p5, p5;
	p5 =	por @!p3 $0x0, $0x0  }
0x74: {  	s26 =	sadd.s32 @!p0 s0, s29;
	p1 =	seq.s32 s25, $0x1;
	p6 =	por @!p3 p5, p5  }
0x75: {  	[sflag:s24] =	ssyncadd.s32 @!p4 $0xFFFFFC00;
	s29 =	sshrl.u32 s18, $0x1;
	s25 =	simm.s32 @p6 $0x2  }
0x76: {  	s29 =	ssub.s32 s18, s29;
	s28 =	sshll.u32 @p6 s28, $0x7;
	_ =	swait.ge @p6 [sflag:s25], $0x400  }
0x77: {  	s28 =	sadd.s32 @p6 s0, s28;
	s0 =	smax.u32 s29, $0x1;
	[sflag:s25] =	ssyncset.done @p6 $0x0  }
0x78: {  	s0 =	sadd.s32 $0xFFFFFFFF, s0;
	[sflag:s25] =	ssyncadd.s32 @p6 $0xFFFFFC00  }
0x79: {  	[hbm4b:s26+s10] =	stream.linear.scatter @!p0 [tilespmem:s11], [sflag:$0x3], $0x400, $0x38;
	[tilespmem:$0xC00] =	vst v63  }
0x7a: {  	p5 =	sne.s32 s0, $0x0;
	_ =	swait.ge @!p0 [sflag:s9], $0x400  }
.Ltmp0:
0x7b: {  	s1 =	simm.s32 @p6 $0x0;
	[sflag:s9] =	ssyncset.done @!p0 $0x0;
	(pc) =	sbr.rel @!p5 .LBB2_2-.Ltmp0, $4  }
0x7c: {  	s18 =	simm.s32 @p6 $0x400;
	s29 =	simm.s32 @p6 $0x3;
	[sflag:s9] =	ssyncadd.s32 @!p0 $0xFFFFFC00  }
0x7d: {  	[hbm4b:s28+s1] =	stream.linear.scatter @p6 [tilespmem:s18], [sflag:$0x3], $0x400, $0x38;
	[tilespmem:$0xC00] =	vst v63  }
0x7e: {  	_ =	swait.ge @p6 [sflag:s29], $0x400  }
0x7f: {  	s31 =	simm.s32 @p6 $0x400;
	[sflag:s29] =	ssyncset.done @p6 $0x0  }
.LBB2_1:
0x80: {  	[sflag:s29] =	ssyncadd.s32 @p6 $0xFFFFFC00  }
0x81: {  	[tilespmem:$0x800] =	vst v0  }
0x82: {  	[tilespmem:$0xBF0] =	vst v0  }
0x83: {  	[tilespmem:$0xBE0] =	vst v0  }
0x84: {  	[tilespmem:$0xBD0] =	vst v0  }
0x85: {  	[tilespmem:$0xBC0] =	vst v0  }
0x86: {  	[tilespmem:$0xBB0] =	vst v0  }
0x87: {  	[tilespmem:$0xBA0] =	vst v0  }
0x88: {  	[tilespmem:$0xB90] =	vst v0  }
0x89: {  	[tilespmem:$0xB80] =	vst v0  }
0x8a: {  	[tilespmem:$0xB70] =	vst v0  }
0x8b: {  	[tilespmem:$0xB60] =	vst v0  }
0x8c: {  	[tilespmem:$0xB50] =	vst v0  }
0x8d: {  	[tilespmem:$0xB40] =	vst v0  }
0x8e: {  	[tilespmem:$0xB30] =	vst v0  }
0x8f: {  	[tilespmem:$0xB20] =	vst v0  }
0x90: {  	[tilespmem:$0xB10] =	vst v0  }
0x91: {  	[tilespmem:$0xB00] =	vst v0  }
0x92: {  	[tilespmem:$0xAF0] =	vst v0  }
0x93: {  	[tilespmem:$0xAE0] =	vst v0  }
0x94: {  	[tilespmem:$0xAD0] =	vst v0  }
0x95: {  	[tilespmem:$0xAC0] =	vst v0  }
0x96: {  	[tilespmem:$0xAB0] =	vst v0  }
0x97: {  	[tilespmem:$0xAA0] =	vst v0  }
0x98: {  	[tilespmem:$0xA90] =	vst v0  }
0x99: {  	[tilespmem:$0xA80] =	vst v0  }
0x9a: {  	[tilespmem:$0xA70] =	vst v0  }
0x9b: {  	[tilespmem:$0xA60] =	vst v0  }
0x9c: {  	[tilespmem:$0xA50] =	vst v0  }
0x9d: {  	[tilespmem:$0xA40] =	vst v0  }
0x9e: {  	[tilespmem:$0xA30] =	vst v0  }
0x9f: {  	[tilespmem:$0xA20] =	vst v0  }
0xa0: {  	[tilespmem:$0xA10] =	vst v0  }
0xa1: {  	[tilespmem:$0xA00] =	vst v0  }
0xa2: {  	[tilespmem:$0x9F0] =	vst v0  }
0xa3: {  	[tilespmem:$0x9E0] =	vst v0  }
0xa4: {  	[tilespmem:$0x9D0] =	vst v0  }
0xa5: {  	[tilespmem:$0x9C0] =	vst v0  }
0xa6: {  	[tilespmem:$0x9B0] =	vst v0  }
0xa7: {  	[tilespmem:$0x9A0] =	vst v0  }
0xa8: {  	[tilespmem:$0x990] =	vst v0  }
0xa9: {  	[tilespmem:$0x980] =	vst v0  }
0xaa: {  	[tilespmem:$0x970] =	vst v0  }
0xab: {  	[tilespmem:$0x960] =	vst v0  }
0xac: {  	[tilespmem:$0x950] =	vst v0  }
0xad: {  	[tilespmem:$0x940] =	vst v0  }
0xae: {  	[tilespmem:$0x930] =	vst v0  }
0xaf: {  	[tilespmem:$0x920] =	vst v0  }
0xb0: {  	[tilespmem:$0x910] =	vst v0  }
0xb1: {  	[tilespmem:$0x900] =	vst v0  }
0xb2: {  	[tilespmem:$0x8F0] =	vst v0  }
0xb3: {  	[tilespmem:$0x8E0] =	vst v0  }
0xb4: {  	[tilespmem:$0x8D0] =	vst v0  }
0xb5: {  	[tilespmem:$0x8C0] =	vst v0  }
0xb6: {  	[tilespmem:$0x8B0] =	vst v0  }
0xb7: {  	[tilespmem:$0x8A0] =	vst v0  }
0xb8: {  	[tilespmem:$0x890] =	vst v0  }
0xb9: {  	[tilespmem:$0x880] =	vst v0  }
0xba: {  	[tilespmem:$0x870] =	vst v0  }
0xbb: {  	s0 =	sadd.s32 $0xFFFFFFFF, s0;
	[tilespmem:$0x860] =	vst v0  }
0xbc: {  	p5 =	sne.s32 s0, $0x0;
	[tilespmem:$0x850] =	vst v0  }
0xbd: {  	[tilespmem:$0x840] =	vst v0;
	s1 =	simm.s32 @!p5 $0x0  }
0xbe: {  	[tilespmem:$0x830] =	vst v0;
	s1 =	simm.s32 @p5 $0x1  }
0xbf: {  	[tilespmem:$0x820] =	vst v0;
	[smem:$0x7FA] =	sst s1  }
0xc0: {  	[tilespmem:$0x810] =	vst v0;
	s1 =	rddreg [dreg:$0x3]  }
0xc1: {  	[tilespmem:s2], [sflag:$0x1] =	stream.linear.gather @!p2 [hbm4b:s1+s2], $0x400, $0x38;
	[tilespmem:$0xC00] =	vst v63  }
0xc2: {  	s18 =	rddreg [dreg:$0x4]  }
0xc3: {  	[tilespmem:s4], [sflag:$0x2] =	stream.linear.gather @p1 [hbm4b:s18+s3], $0x400, $0x38;
	[tilespmem:$0xC00] =	vst v63  }
0xc4: {  	s1 =	rddreg [dreg:$0x5]  }
0xc5: {  	[tilespmem:s6], [sflag:$0x2] =	stream.linear.gather @!p3 [hbm4b:s1+s5], $0x2A0, $0x38;
	[tilespmem:$0xC00] =	vst v63  }
0xc6: {  	_ =	swait.ge @!p2 [sflag:s7], $0x400  }
0xc7: {  	[sflag:s7] =	ssyncset.done @!p2 $0x0  }
0xc8: {  	[sflag:s7] =	ssyncadd.s32 @!p2 $0xFFFFFC00  }
0xc9: {  	[hbm4b:s8+s10] =	stream.linear.scatter @!p0 [tilespmem:s11], [sflag:$0x3], $0x400, $0x38;
	[tilespmem:$0xC00] =	vst v63  }
0xca: {  	_ =	swait.ge @!p0 [sflag:s9], $0x400  }
0xcb: {  	[sflag:s9] =	ssyncset.done @!p0 $0x0  }
0xcc: {  	[sflag:s9] =	ssyncadd.s32 @!p0 $0xFFFFFC00  }
0xcd: {  	[hbm4b:s8+s2] =	stream.linear.scatter @!p2 [tilespmem:s2], [sflag:$0x3], $0x400, $0x38;
	[tilespmem:$0xC00] =	vst v63  }
0xce: {  	_ =	swait.ge @!p2 [sflag:s12], $0x400  }
0xcf: {  	[sflag:s12] =	ssyncset.done @!p2 $0x0  }
0xd0: {  	s1 =	rddreg [dreg:$0x6];
	[sflag:s12] =	ssyncadd.s32 @!p2 $0xFFFFFC00  }
0xd1: {  	[tilespmem:s13], [sflag:$0x1] =	stream.linear.gather @!p4 [hbm4b:s1+s13], $0x400, $0x38;
	[tilespmem:$0xC00] =	vst v63  }
0xd2: {  	_ =	swait.ge @p1 [sflag:s14], $0x400  }
0xd3: {  	[sflag:s14] =	ssyncset.done @p1 $0x0  }
0xd4: {  	[sflag:s14] =	ssyncadd.s32 @p1 $0xFFFFFC00  }
0xd5: {  	_ =	swait.ge @!p3 [sflag:s15], $0x2A0  }
0xd6: {  	[sflag:s15] =	ssyncset.done @!p3 $0x0  }
0xd7: {  	[sflag:s15] =	ssyncadd.s32 @!p3 $0xFFFFFD60  }
0xd8: {  	[hbm4b:s16+s10] =	stream.linear.scatter @!p0 [tilespmem:s11], [sflag:$0x3], $0x400, $0x38;
	[tilespmem:$0xC00] =	vst v63  }
0xd9: {  	_ =	swait.ge @!p0 [sflag:s9], $0x400  }
0xda: {  	[sflag:s9] =	ssyncset.done @!p0 $0x0  }
0xdb: {  	[sflag:s9] =	ssyncadd.s32 @!p0 $0xFFFFFC00  }
0xdc: {  	[hbm4b:s16+s3] =	stream.linear.scatter @p1 [tilespmem:s4], [sflag:$0x3], $0x400, $0x38;
	[tilespmem:$0xC00] =	vst v63  }
0xdd: {  	_ =	swait.ge @p1 [sflag:s17], $0x400  }
0xde: {  	s18 =	sld [smem:$0x7FB];
	_ =	sdelay $0x1  }
0xdf: {  	[sflag:s17] =	ssyncset.done @p1 $0x0  }
0xe0: {  	s1 =	rddreg [dreg:$0x7];
	[sflag:s17] =	ssyncadd.s32 @p1 $0xFFFFFC00;
	p5 =	seq.s32 s18, $0x1  }
0xe1: {  	[tilespmem:s30], [sflag:$0x2] =	stream.linear.gather @!p5 [hbm4b:s1+s19], $0x400, $0x38;
	[tilespmem:$0xC00] =	vst v63  }
0xe2: {  	_ = 	snop  }
0xe3: {  	[hbm4b:s20+s5] =	stream.linear.scatter @!p3 [tilespmem:s6], [sflag:$0x3], $0x2A0, $0x38;
	[tilespmem:$0xC00] =	vst v63  }
0xe4: {  	_ =	swait.ge @!p3 [sflag:s21], $0x2A0  }
0xe5: {  	[sflag:s21] =	ssyncset.done @!p3 $0x0  }
0xe6: {  	[sflag:s21] =	ssyncadd.s32 @!p3 $0xFFFFFD60  }
0xe7: {  	_ =	swait.ge @!p4 [sflag:s22], $0x400  }
0xe8: {  	[sflag:s22] =	ssyncset.done @!p4 $0x0  }
0xe9: {  	[sflag:s22] =	ssyncadd.s32 @!p4 $0xFFFFFC00  }
0xea: {  	[hbm4b:s23+s10] =	stream.linear.scatter @!p0 [tilespmem:s11], [sflag:$0x3], $0x400, $0x38;
	[tilespmem:$0xC00] =	vst v63  }
0xeb: {  	_ =	swait.ge @!p0 [sflag:s9], $0x400  }
0xec: {  	[sflag:s9] =	ssyncset.done @!p0 $0x0  }
0xed: {  	[sflag:s9] =	ssyncadd.s32 @!p0 $0xFFFFFC00  }
0xee: {  	[hbm4b:s23+s13] =	stream.linear.scatter @!p4 [tilespmem:s13], [sflag:$0x3], $0x400, $0x38;
	[tilespmem:$0xC00] =	vst v63  }
0xef: {  	_ =	swait.ge @!p4 [sflag:s24], $0x400  }
0xf0: {  	[sflag:s24] =	ssyncset.done @!p4 $0x0  }
0xf1: {  	[sflag:s24] =	ssyncadd.s32 @!p4 $0xFFFFFC00  }
0xf2: {  	_ =	swait.ge @p6 [sflag:s25], $0x400  }
0xf3: {  	[sflag:s25] =	ssyncset.done @p6 $0x0  }
0xf4: {  	[sflag:s25] =	ssyncadd.s32 @p6 $0xFFFFFC00  }
0xf5: {  	[hbm4b:s26+s10] =	stream.linear.scatter @!p0 [tilespmem:s11], [sflag:$0x3], $0x400, $0x38;
	[tilespmem:$0xC00] =	vst v63  }
0xf6: {  	_ =	swait.ge @!p0 [sflag:s9], $0x400  }
0xf7: {  	[sflag:s9] =	ssyncset.done @!p0 $0x0  }
0xf8: {  	s1 =	simm.s32 @p6 $0x0;
	[sflag:s9] =	ssyncadd.s32 @!p0 $0xFFFFFC00  }
0xf9: {  	[hbm4b:s28+s1] =	stream.linear.scatter @p6 [tilespmem:s31], [sflag:$0x3], $0x400, $0x38;
	[tilespmem:$0xC00] =	vst v63  }
0xfa: {  	_ =	swait.ge @p6 [sflag:s29], $0x400  }
0xfb: {  	s18 =	sld [smem:$0x7FA];
	_ =	sdelay $0x2  }
0xfc: {  	p5 =	seq.s32 s18, $0x1  }
.Ltmp1:
0xfd: {  	_ = 	snop;
	(pc) =	sbr.rel @p5 .LBB2_1-.Ltmp1, $2  }
0xfe: {  	_ =	sdelay $0x2  }
0xff: {  	[sflag:s29] =	ssyncset.done @p6 $0x0  }
.LBB2_2:
0x100: {  	[sflag:s29] =	ssyncadd.s32 @p6 $0xFFFFFC00  }
0x101: {  	_ =	sfence.sel $0x180000  }
0x102: {  	[bflag:$0x0] =	sbarrier.arrive $0xFFFF  }
0x103: {  	_ =	strace $0x90000047  }
0x104: {  	s0 =	stileid.u32;
	[bflag:$0x2] =	sbarrier.arrive $0xFFFF  }
0x105: {  	p0 =	sne.s32 s0, $0x0;
	s0 =	rddreg [dreg:$0x2]  }
0x106: {  	s0 =	sadd.s32 @!p0 $0x100000, s0  }
0x107: {  	[sflag:s0] =	ssyncadd.tile.s32 @!p0 $0x1;
	_ =	shalt  }
.Lfunc_end2:
_tile_overlayer_lowered:
.L_overlay_start_2:
0x108: {  	(tag) =	ssettag $0x2  }
0x109: {  	s0 =	rddreg [dreg:$0x0];
	s2 =	stileid.u32  }
0x10a: {  	s1 =	rddreg [dreg:$0x1];
	p0 =	sne.s32 s2, $0x0  }
0x10b: {  	s3 =	rddreg [dreg:$0x2];
	[bflag:$0x3] =	sbarrier.arrive $0xFFFF;
	s2 =	simm.s32 @!p0 $0x1C03  }
0x10c: {  	[timem:s3], [sflag:s2] =	dma.local @!p0 [hbm:s0], s1  }
0x10d: {  	s0 =	simm.s32 @!p0 $0x3  }
0x10e: {  	_ =	swait.ge @!p0 [sflag:s0], s1  }
0x10f: {  	s1 =	ssub.s32 @!p0 $0x0, s1;
	[sflag:s0] =	ssyncset.done @!p0 $0x0  }
0x110: {  	[sflag:s0] =	ssyncadd.s32 @!p0 s1  }
0x111: {  	[bflag:$0x3] =	sbarrier.arrive $0xFFFF  }
0x112: {  	_ =	shalt  }

</sc_bundles>
